<compile_context>
chip_gen: v7x
topology: tpu7x:2x2x1
jax: 0.10.2.dev20260603
libtpu: 0.0.44.dev20260713+nightly
codegen_flags: <defaults>
</compile_context>

<pallas_src>
import functools

import jax
import jax.numpy as jnp
from jax import lax
from jax.experimental import pallas as pl
from jax.experimental.pallas import tpu as pltpu
from jax.experimental.pallas import tpu_sc as plsc

_NC = 2
_NS = 16
_NW = _NC * _NS
_LANES = 16

_BAG = 50
_BPC = 2
_CH = 104
_NBUF = 4


def _sc_embedding_bag(inp_flat, dic, wpacked, B, D):
  bw = B // _NW
  nch = bw // _BPC
  ids_w = nch * _CH
  dp = D // 2
  dseg = dp // _LANES
  R = wpacked.shape[0]
  V = dic.shape[0]
  rpt = R // _NS
  vpt = V // _NS

  mesh = plsc.VectorSubcoreMesh(core_axis_name="c", subcore_axis_name="s")

  @functools.partial(
      pl.kernel,
      mesh=mesh,
      out_type=jax.ShapeDtypeStruct((B, D), jnp.float32),
      compiler_params=pltpu.CompilerParams(use_tc_tiling_on_sc=False),
      scratch_types=(
          [
              pltpu.VMEM((ids_w,), jnp.int32),
              pltpu.VMEM((ids_w,), jnp.int32),
              pltpu.VMEM((bw, D), jnp.float32),
              pltpu.VMEM_SHARED((R, dp), jnp.int32),
          ]
          + [pltpu.VMEM((_CH, dp), jnp.int32) for _ in range(_NBUF)]
          + [pltpu.SemaphoreType.DMA]
          + [pltpu.SemaphoreType.DMA for _ in range(_NBUF)]
          + [pltpu.SemaphoreType.DMA for _ in range(_NBUF)]
      ),
  )
  def k(inp_hbm, dic_hbm, w_hbm, out_hbm, idx_v, slots_v, out_v,
        w_sp, *rest):
    bufs = rest[:_NBUF]
    rsem = rest[_NBUF]
    bsems = rest[_NBUF + 1:_NBUF + 1 + _NBUF]
    msems = rest[_NBUF + 1 + _NBUF:]

    sid = lax.axis_index("s")
    wid = sid * _NC + lax.axis_index("c")

    h1 = pltpu.async_copy(w_hbm.at[pl.ds(sid * rpt, rpt)],
                          w_sp.at[pl.ds(sid * rpt, rpt)], rsem)
    pltpu.sync_copy(inp_hbm.at[pl.ds(wid * ids_w, ids_w)], idx_v)
    h1.wait()
    plsc.subcore_barrier()

    def remap_issue(c, n):
      sl = pl.ds(c * _CH, _CH)
      pltpu.async_copy(dic_hbm.at[idx_v.at[sl]], slots_v.at[sl], msems[n])

    def remap_wait(c, n):
      sl = pl.ds(c * _CH, _CH)
      pltpu.make_async_copy(dic_hbm.at[idx_v.at[sl]], slots_v.at[sl],
                            msems[n]).wait()

    def issue(c, n):
      sl = pl.ds(c * _CH, _CH)
      pltpu.async_copy(w_sp.at[slots_v.at[sl]], bufs[n], bsems[n])

    def wait(c, n):
      sl = pl.ds(c * _CH, _CH)
      pltpu.make_async_copy(w_sp.at[slots_v.at[sl]], bufs[n],
                            bsems[n]).wait()

    for n in range(_NBUF):
      remap_issue(n, n)
    for n in range(_NBUF):
      remap_wait(n, n)
      issue(n, n)
      remap_issue(n + _NBUF, n)

    def outer(i, carry):
      c0 = i * _NBUF
      for n in range(_NBUF):
        c = c0 + n
        wait(c, n)
        for s in range(_BPC):
          def acc_body(r, accs):
            row = s * _BAG + r
            sh = jnp.full((_LANES,), 16, jnp.int32)
            msk = jnp.full((_LANES,), -65536, jnp.int32)
            xs = [bufs[n][row, pl.ds(l * _LANES, _LANES)]
                  for l in range(dseg)]
            lo = tuple(
                accs[l]
                + lax.bitcast_convert_type(
                    lax.shift_left(xs[l], sh), jnp.float32)
                for l in range(dseg))
            hi = tuple(
                accs[dseg + l]
                + lax.bitcast_convert_type(xs[l] & msk, jnp.float32)
                for l in range(dseg))
            return lo + hi
          accs = lax.fori_loop(
              0, _BAG, acc_body,
              tuple(jnp.zeros((_LANES,), jnp.float32)
                    for _ in range(2 * dseg)))
          ob = c * _BPC + s
          for l in range(dseg):
            out_v[ob, pl.ds(l * _LANES, _LANES)] = accs[l]
            out_v[ob, pl.ds(dp + l * _LANES, _LANES)] = accs[dseg + l]
        @pl.when(c + _NBUF < nch)
        def _():
          remap_wait(c + _NBUF, n)
          issue(c + _NBUF, n)
        @pl.when(c + 2 * _NBUF < nch)
        def _():
          remap_issue(c + 2 * _NBUF, n)
      return carry

    lax.fori_loop(0, nch // _NBUF, outer, 0)

    pltpu.sync_copy(out_v, out_hbm.at[pl.ds(wid * bw, bw)])

  return k(inp_flat, dic, wpacked)


def kernel(input, weight, dic):
  B, N = input.shape
  D = weight.shape[1]
  wb = weight.at[0].set(0.0).astype(jnp.bfloat16)
  wp = jnp.stack([wb[:, :D // 2], wb[:, D // 2:]], axis=-1)
  wpk = jax.lax.bitcast_convert_type(wp, jnp.int32)
  R0 = wpk.shape[0]
  R = ((R0 + 127) // 128) * 128
  wpk = jnp.pad(wpk, ((0, R - R0), (0, 0)))
  V0 = dic.shape[0]
  V = ((V0 + 127) // 128) * 128
  dicp = jnp.pad(dic, (0, V - V0))
  inp2 = input.reshape(B // _BPC, _BPC * N)
  inp_pad = jnp.pad(inp2, ((0, 0), (0, _CH - _BPC * N)))
  out = _sc_embedding_bag(inp_pad.reshape(-1), dicp, wpk, B, D)
  return out

# --- scband reference (transcript-rebuilt; emitter-appended) ---
"""Pipeline reference for scband-ada-embedding-bag-31825707664002 (READ-ONLY COPY).

The authoritative reference and input builder live on the scoring server;
editing this copy changes nothing except your own understanding.
"""

import jax, jax.numpy as jnp
import numpy as np

NUM_CATEGORIES = 100000
EMBED_DIM = 128
COMPRESS_RATE = 0.1
HOT_NUM = int((NUM_CATEGORIES * EMBED_DIM * COMPRESS_RATE - NUM_CATEGORIES * 2) / EMBED_DIM)  # 8437
OFFSET = 0
BATCH = 4096
BAG = 50


def setup_inputs(seed: int = 0) -> dict:
    key = jax.random.key(seed)
    k1, k2, k3 = jax.random.split(key, 3)
    # 2D input of shape (B, N): B bags of fixed length N (offsets=None path)
    inp = jax.random.randint(k1, (BATCH, BAG), 0, NUM_CATEGORIES, dtype=jnp.int32)
    # compressed hot-embedding table: hot_num + 1 rows, row 0 is the shared cold slot
    weight = jax.random.normal(k2, (HOT_NUM + 1, EMBED_DIM), dtype=jnp.float32) * (1.0 / np.sqrt(NUM_CATEGORIES))
    # dic maps each raw category id -> slot in compressed table; 0 means cold
    dic = jax.random.randint(k3, (NUM_CATEGORIES,), 0, HOT_NUM + 1, dtype=jnp.int32)
    return {"input": inp, "weight": weight, "dic": dic}


def reference(input, weight, dic):
    # Faithful to adaEmbeddingBag.forward:
    #   with torch.no_grad(): self.weight[0] = 0   (cold slot pinned to zero)
    #   input = input + self.offset
    #   dic = self.dic[input]                       (remap raw ids -> compressed slots)
    #   out = F.embedding_bag(dic, self.weight, mode='sum')  per fixed-length bag
    weight = weight.at[0].set(0.0)
    idx = input + OFFSET                  # [B, N]
    slots = jnp.take(dic, idx, axis=0)    # [B, N] compressed-table row ids (SparseCore gather)
    emb = jnp.take(weight, slots, axis=0) # [B, N, D] embedding gather
    out = jnp.sum(emb, axis=1)            # [B, D] bag-sum reduction
    return out

if __name__ == "__main__":
    import jax
    _d = setup_inputs()
    print(jax.jit(kernel)(*tuple(_d.values())))

</pallas_src>

<mosaic_0001>
#map = affine_map<(d0, d1) -> (0)>
#map1 = affine_map<(d0, d1) -> (0, 0)>
module attributes {stable_mosaic.version = 14 : i64} {
  func.func @k(%arg0: i32, %arg1: i32, %arg2: memref<212992xi32, #tpu.memory_space<hbm>>, %arg3: memref<100096xi32, #tpu.memory_space<hbm>>, %arg4: memref<8448x64xi32, #tpu.memory_space<hbm>>, %arg5: memref<4096x128xf32, #tpu.memory_space<hbm>>, %arg6: memref<6656xi32, #tpu.memory_space<vmem>>, %arg7: memref<6656xi32, #tpu.memory_space<vmem>>, %arg8: memref<128x128xf32, #tpu.memory_space<vmem>>, %arg9: memref<8448x64xi32, #tpu.memory_space<vmem_shared>>, %arg10: memref<104x64xi32, #tpu.memory_space<vmem>>, %arg11: memref<104x64xi32, #tpu.memory_space<vmem>>, %arg12: memref<104x64xi32, #tpu.memory_space<vmem>>, %arg13: memref<104x64xi32, #tpu.memory_space<vmem>>, %arg14: memref<!tpu.dma_semaphore, #tpu.memory_space<semaphore_mem>>, %arg15: memref<!tpu.dma_semaphore, #tpu.memory_space<semaphore_mem>>, %arg16: memref<!tpu.dma_semaphore, #tpu.memory_space<semaphore_mem>>, %arg17: memref<!tpu.dma_semaphore, #tpu.memory_space<semaphore_mem>>, %arg18: memref<!tpu.dma_semaphore, #tpu.memory_space<semaphore_mem>>, %arg19: memref<!tpu.dma_semaphore, #tpu.memory_space<semaphore_mem>>, %arg20: memref<!tpu.dma_semaphore, #tpu.memory_space<semaphore_mem>>, %arg21: memref<!tpu.dma_semaphore, #tpu.memory_space<semaphore_mem>>, %arg22: memref<!tpu.dma_semaphore, #tpu.memory_space<semaphore_mem>>) attributes {dimension_semantics = [#tpu.dimension_semantics<core_parallel>, #tpu.dimension_semantics<subcore_parallel>], iteration_bounds = array<i64: 2, 16>, scalar_prefetch = 0 : i64, scratch_operands = 17 : i64, tpu.core_type = #tpu.core_type<sc_vector_subcore>, window_params = [{transform_indices = #map}, {transform_indices = #map}, {transform_indices = #map1}, {transform_indices = #map1}]} {
    %mul3A = arith.constant 2 : i32
    %mul3A_0 = arith.muli %arg1, %mul3A : i32
    %add3A = arith.addi %mul3A_0, %arg0 : i32
    %mul3A_1 = arith.constant 528 : i32
    %mul3A_2 = arith.muli %arg1, %mul3A_1 : i32
    %mul3A_3 = arith.constant 528 : i32
    %mul3A_4 = arith.muli %arg1, %mul3A_3 : i32
    %dma_start3A = arith.constant 0 : i32
    %dma_start3A_5 = tpu.memref_slice %arg9[%mul3A_4, %dma_start3A] : memref<8448x64xi32, #tpu.memory_space<vmem_shared>> -> memref<528x64xi32, #tpu.memory_space<vmem_shared>>
    %dma_start3A_6 = arith.constant 0 : i32
    %dma_start3A_7 = tpu.memref_slice %arg4[%mul3A_2, %dma_start3A_6] : memref<8448x64xi32, #tpu.memory_space<hbm>> -> memref<528x64xi32, #tpu.memory_space<hbm>>
    tpu.enqueue_dma source(%dma_start3A_7 : memref<528x64xi32, #tpu.memory_space<hbm>>) target(%dma_start3A_5 : memref<528x64xi32, #tpu.memory_space<vmem_shared>>) target_semaphore(%arg14 : memref<!tpu.dma_semaphore, #tpu.memory_space<semaphore_mem>>)
    %mul3A_8 = arith.constant 6656 : i32
    %mul3A_9 = arith.muli %add3A, %mul3A_8 : i32
    "tpu.region"() ({
      %run_scoped3A = tpu.sem_alloc : memref<!tpu.dma_semaphore, #tpu.memory_space<semaphore_mem>>
      %dma_start3A_112 = tpu.memref_slice %arg2[%mul3A_9] : memref<212992xi32, #tpu.memory_space<hbm>> -> memref<6656xi32, #tpu.memory_space<hbm>>
      %dma_start3A_113 = tpu.memref_slice %arg2[%mul3A_9] : memref<212992xi32, #tpu.memory_space<hbm>> -> memref<6656xi32, #tpu.memory_space<hbm>>
      tpu.enqueue_dma source(%dma_start3A_113 : memref<6656xi32, #tpu.memory_space<hbm>>) target(%arg6 : memref<6656xi32, #tpu.memory_space<vmem>>) target_semaphore(%run_scoped3A : memref<!tpu.dma_semaphore, #tpu.memory_space<semaphore_mem>>)
      %dma_wait3A_114 = tpu.memref_slice %arg2[%mul3A_9] : memref<212992xi32, #tpu.memory_space<hbm>> -> memref<6656xi32, #tpu.memory_space<hbm>>
      %dma_wait3A_115 = tpu.memref_slice %arg2[%mul3A_9] : memref<212992xi32, #tpu.memory_space<hbm>> -> memref<6656xi32, #tpu.memory_space<hbm>>
      tpu.wait_dma2 semaphore(%run_scoped3A : memref<!tpu.dma_semaphore, #tpu.memory_space<semaphore_mem>>) src(%dma_wait3A_115 : memref<6656xi32, #tpu.memory_space<hbm>>) dst(%arg6 : memref<6656xi32, #tpu.memory_space<vmem>>)
      tpu.yield
    }) : () -> ()
    %dma_wait3A = arith.constant 0 : i32
    %dma_wait3A_10 = tpu.memref_slice %arg9[%mul3A_4, %dma_wait3A] : memref<8448x64xi32, #tpu.memory_space<vmem_shared>> -> memref<528x64xi32, #tpu.memory_space<vmem_shared>>
    %dma_wait3A_11 = arith.constant 0 : i32
    %dma_wait3A_12 = tpu.memref_slice %arg4[%mul3A_2, %dma_wait3A_11] : memref<8448x64xi32, #tpu.memory_space<hbm>> -> memref<528x64xi32, #tpu.memory_space<hbm>>
    tpu.wait_dma2 semaphore(%arg14 : memref<!tpu.dma_semaphore, #tpu.memory_space<semaphore_mem>>) src(%dma_wait3A_12 : memref<528x64xi32, #tpu.memory_space<hbm>>) dst(%dma_wait3A_10 : memref<528x64xi32, #tpu.memory_space<vmem_shared>>)
    %barrier3A = arith.constant 0 : index
    tpu.barrier barrier_id(%barrier3A)
    %dma_start3A_13 = arith.constant 0 : i32
    %dma_start3A_14 = tpu.memref_slice %arg7[%dma_start3A_13] : memref<6656xi32, #tpu.memory_space<vmem>> -> memref<104xi32, #tpu.memory_space<vmem>>
    %dma_start3A_15 = arith.constant 0 : i32
    %dma_start3A_16 = tpu.memref_slice %arg6[%dma_start3A_15] : memref<6656xi32, #tpu.memory_space<vmem>> -> memref<104xi32, #tpu.memory_space<vmem>>
    %dma_start3A_17 = arith.constant 0 : i32
    %dma_start3A_18 = tpu.memref_slice %arg3[%dma_start3A_17] : memref<100096xi32, #tpu.memory_space<hbm>> -> memref<100096xi32, #tpu.memory_space<hbm>>
    tpu.enqueue_indirect_dma source(%dma_start3A_18 : memref<100096xi32, #tpu.memory_space<hbm>>) target(%dma_start3A_14 : memref<104xi32, #tpu.memory_space<vmem>>) offsets(%dma_start3A_16 : memref<104xi32, #tpu.memory_space<vmem>>) semaphore(%arg19 : memref<!tpu.dma_semaphore, #tpu.memory_space<semaphore_mem>>)
    %dma_start3A_19 = arith.constant 104 : i32
    %dma_start3A_20 = tpu.memref_slice %arg7[%dma_start3A_19] : memref<6656xi32, #tpu.memory_space<vmem>> -> memref<104xi32, #tpu.memory_space<vmem>>
    %dma_start3A_21 = arith.constant 104 : i32
    %dma_start3A_22 = tpu.memref_slice %arg6[%dma_start3A_21] : memref<6656xi32, #tpu.memory_space<vmem>> -> memref<104xi32, #tpu.memory_space<vmem>>
    %dma_start3A_23 = arith.constant 0 : i32
    %dma_start3A_24 = tpu.memref_slice %arg3[%dma_start3A_23] : memref<100096xi32, #tpu.memory_space<hbm>> -> memref<100096xi32, #tpu.memory_space<hbm>>
    tpu.enqueue_indirect_dma source(%dma_start3A_24 : memref<100096xi32, #tpu.memory_space<hbm>>) target(%dma_start3A_20 : memref<104xi32, #tpu.memory_space<vmem>>) offsets(%dma_start3A_22 : memref<104xi32, #tpu.memory_space<vmem>>) semaphore(%arg20 : memref<!tpu.dma_semaphore, #tpu.memory_space<semaphore_mem>>)
    %dma_start3A_25 = arith.constant 208 : i32
    %dma_start3A_26 = tpu.memref_slice %arg7[%dma_start3A_25] : memref<6656xi32, #tpu.memory_space<vmem>> -> memref<104xi32, #tpu.memory_space<vmem>>
    %dma_start3A_27 = arith.constant 208 : i32
    %dma_start3A_28 = tpu.memref_slice %arg6[%dma_start3A_27] : memref<6656xi32, #tpu.memory_space<vmem>> -> memref<104xi32, #tpu.memory_space<vmem>>
    %dma_start3A_29 = arith.constant 0 : i32
    %dma_start3A_30 = tpu.memref_slice %arg3[%dma_start3A_29] : memref<100096xi32, #tpu.memory_space<hbm>> -> memref<100096xi32, #tpu.memory_space<hbm>>
    tpu.enqueue_indirect_dma source(%dma_start3A_30 : memref<100096xi32, #tpu.memory_space<hbm>>) target(%dma_start3A_26 : memref<104xi32, #tpu.memory_space<vmem>>) offsets(%dma_start3A_28 : memref<104xi32, #tpu.memory_space<vmem>>) semaphore(%arg21 : memref<!tpu.dma_semaphore, #tpu.memory_space<semaphore_mem>>)
    %dma_start3A_31 = arith.constant 312 : i32
    %dma_start3A_32 = tpu.memref_slice %arg7[%dma_start3A_31] : memref<6656xi32, #tpu.memory_space<vmem>> -> memref<104xi32, #tpu.memory_space<vmem>>
    %dma_start3A_33 = arith.constant 312 : i32
    %dma_start3A_34 = tpu.memref_slice %arg6[%dma_start3A_33] : memref<6656xi32, #tpu.memory_space<vmem>> -> memref<104xi32, #tpu.memory_space<vmem>>
    %dma_start3A_35 = arith.constant 0 : i32
    %dma_start3A_36 = tpu.memref_slice %arg3[%dma_start3A_35] : memref<100096xi32, #tpu.memory_space<hbm>> -> memref<100096xi32, #tpu.memory_space<hbm>>
    tpu.enqueue_indirect_dma source(%dma_start3A_36 : memref<100096xi32, #tpu.memory_space<hbm>>) target(%dma_start3A_32 : memref<104xi32, #tpu.memory_space<vmem>>) offsets(%dma_start3A_34 : memref<104xi32, #tpu.memory_space<vmem>>) semaphore(%arg22 : memref<!tpu.dma_semaphore, #tpu.memory_space<semaphore_mem>>)
    %dma_wait3A_37 = arith.constant 0 : i32
    %dma_wait3A_38 = tpu.memref_slice %arg7[%dma_wait3A_37] : memref<6656xi32, #tpu.memory_space<vmem>> -> memref<104xi32, #tpu.memory_space<vmem>>
    %dma_wait3A_39 = arith.constant 0 : i32
    %dma_wait3A_40 = tpu.memref_slice %arg6[%dma_wait3A_39] : memref<6656xi32, #tpu.memory_space<vmem>> -> memref<104xi32, #tpu.memory_space<vmem>>
    %dma_wait3A_41 = arith.constant 0 : i32
    %dma_wait3A_42 = tpu.memref_slice %arg3[%dma_wait3A_41] : memref<100096xi32, #tpu.memory_space<hbm>> -> memref<100096xi32, #tpu.memory_space<hbm>>
    tpu.wait_indirect_dma semaphore(%arg19 : memref<!tpu.dma_semaphore, #tpu.memory_space<semaphore_mem>>) src(%dma_wait3A_42 : memref<100096xi32, #tpu.memory_space<hbm>>) dst(%dma_wait3A_38 : memref<104xi32, #tpu.memory_space<vmem>>)
    %dma_start3A_43 = arith.constant 0 : i32
    %dma_start3A_44 = tpu.memref_slice %arg7[%dma_start3A_43] : memref<6656xi32, #tpu.memory_space<vmem>> -> memref<104xi32, #tpu.memory_space<vmem>>
    %dma_start3A_45 = arith.constant 0 : i32
    %dma_start3A_46 = arith.constant 0 : i32
    %dma_start3A_47 = tpu.memref_slice %arg9[%dma_start3A_45, %dma_start3A_46] : memref<8448x64xi32, #tpu.memory_space<vmem_shared>> -> memref<8448x64xi32, #tpu.memory_space<vmem_shared>>
    tpu.enqueue_indirect_dma source(%dma_start3A_47 : memref<8448x64xi32, #tpu.memory_space<vmem_shared>>) target(%arg10 : memref<104x64xi32, #tpu.memory_space<vmem>>) offsets(%dma_start3A_44 : memref<104xi32, #tpu.memory_space<vmem>>) semaphore(%arg15 : memref<!tpu.dma_semaphore, #tpu.memory_space<semaphore_mem>>)
    %dma_start3A_48 = arith.constant 416 : i32
    %dma_start3A_49 = tpu.memref_slice %arg7[%dma_start3A_48] : memref<6656xi32, #tpu.memory_space<vmem>> -> memref<104xi32, #tpu.memory_space<vmem>>
    %dma_start3A_50 = arith.constant 416 : i32
    %dma_start3A_51 = tpu.memref_slice %arg6[%dma_start3A_50] : memref<6656xi32, #tpu.memory_space<vmem>> -> memref<104xi32, #tpu.memory_space<vmem>>
    %dma_start3A_52 = arith.constant 0 : i32
    %dma_start3A_53 = tpu.memref_slice %arg3[%dma_start3A_52] : memref<100096xi32, #tpu.memory_space<hbm>> -> memref<100096xi32, #tpu.memory_space<hbm>>
    tpu.enqueue_indirect_dma source(%dma_start3A_53 : memref<100096xi32, #tpu.memory_space<hbm>>) target(%dma_start3A_49 : memref<104xi32, #tpu.memory_space<vmem>>) offsets(%dma_start3A_51 : memref<104xi32, #tpu.memory_space<vmem>>) semaphore(%arg19 : memref<!tpu.dma_semaphore, #tpu.memory_space<semaphore_mem>>)
    %dma_wait3A_54 = arith.constant 104 : i32
    %dma_wait3A_55 = tpu.memref_slice %arg7[%dma_wait3A_54] : memref<6656xi32, #tpu.memory_space<vmem>> -> memref<104xi32, #tpu.memory_space<vmem>>
    %dma_wait3A_56 = arith.constant 104 : i32
    %dma_wait3A_57 = tpu.memref_slice %arg6[%dma_wait3A_56] : memref<6656xi32, #tpu.memory_space<vmem>> -> memref<104xi32, #tpu.memory_space<vmem>>
    %dma_wait3A_58 = arith.constant 0 : i32
    %dma_wait3A_59 = tpu.memref_slice %arg3[%dma_wait3A_58] : memref<100096xi32, #tpu.memory_space<hbm>> -> memref<100096xi32, #tpu.memory_space<hbm>>
    tpu.wait_indirect_dma semaphore(%arg20 : memref<!tpu.dma_semaphore, #tpu.memory_space<semaphore_mem>>) src(%dma_wait3A_59 : memref<100096xi32, #tpu.memory_space<hbm>>) dst(%dma_wait3A_55 : memref<104xi32, #tpu.memory_space<vmem>>)
    %dma_start3A_60 = arith.constant 104 : i32
    %dma_start3A_61 = tpu.memref_slice %arg7[%dma_start3A_60] : memref<6656xi32, #tpu.memory_space<vmem>> -> memref<104xi32, #tpu.memory_space<vmem>>
    %dma_start3A_62 = arith.constant 0 : i32
    %dma_start3A_63 = arith.constant 0 : i32
    %dma_start3A_64 = tpu.memref_slice %arg9[%dma_start3A_62, %dma_start3A_63] : memref<8448x64xi32, #tpu.memory_space<vmem_shared>> -> memref<8448x64xi32, #tpu.memory_space<vmem_shared>>
    tpu.enqueue_indirect_dma source(%dma_start3A_64 : memref<8448x64xi32, #tpu.memory_space<vmem_shared>>) target(%arg11 : memref<104x64xi32, #tpu.memory_space<vmem>>) offsets(%dma_start3A_61 : memref<104xi32, #tpu.memory_space<vmem>>) semaphore(%arg16 : memref<!tpu.dma_semaphore, #tpu.memory_space<semaphore_mem>>)
    %dma_start3A_65 = arith.constant 520 : i32
    %dma_start3A_66 = tpu.memref_slice %arg7[%dma_start3A_65] : memref<6656xi32, #tpu.memory_space<vmem>> -> memref<104xi32, #tpu.memory_space<vmem>>
    %dma_start3A_67 = arith.constant 520 : i32
    %dma_start3A_68 = tpu.memref_slice %arg6[%dma_start3A_67] : memref<6656xi32, #tpu.memory_space<vmem>> -> memref<104xi32, #tpu.memory_space<vmem>>
    %dma_start3A_69 = arith.constant 0 : i32
    %dma_start3A_70 = tpu.memref_slice %arg3[%dma_start3A_69] : memref<100096xi32, #tpu.memory_space<hbm>> -> memref<100096xi32, #tpu.memory_space<hbm>>
    tpu.enqueue_indirect_dma source(%dma_start3A_70 : memref<100096xi32, #tpu.memory_space<hbm>>) target(%dma_start3A_66 : memref<104xi32, #tpu.memory_space<vmem>>) offsets(%dma_start3A_68 : memref<104xi32, #tpu.memory_space<vmem>>) semaphore(%arg20 : memref<!tpu.dma_semaphore, #tpu.memory_space<semaphore_mem>>)
    %dma_wait3A_71 = arith.constant 208 : i32
    %dma_wait3A_72 = tpu.memref_slice %arg7[%dma_wait3A_71] : memref<6656xi32, #tpu.memory_space<vmem>> -> memref<104xi32, #tpu.memory_space<vmem>>
    %dma_wait3A_73 = arith.constant 208 : i32
    %dma_wait3A_74 = tpu.memref_slice %arg6[%dma_wait3A_73] : memref<6656xi32, #tpu.memory_space<vmem>> -> memref<104xi32, #tpu.memory_space<vmem>>
    %dma_wait3A_75 = arith.constant 0 : i32
    %dma_wait3A_76 = tpu.memref_slice %arg3[%dma_wait3A_75] : memref<100096xi32, #tpu.memory_space<hbm>> -> memref<100096xi32, #tpu.memory_space<hbm>>
    tpu.wait_indirect_dma semaphore(%arg21 : memref<!tpu.dma_semaphore, #tpu.memory_space<semaphore_mem>>) src(%dma_wait3A_76 : memref<100096xi32, #tpu.memory_space<hbm>>) dst(%dma_wait3A_72 : memref<104xi32, #tpu.memory_space<vmem>>)
    %dma_start3A_77 = arith.constant 208 : i32
    %dma_start3A_78 = tpu.memref_slice %arg7[%dma_start3A_77] : memref<6656xi32, #tpu.memory_space<vmem>> -> memref<104xi32, #tpu.memory_space<vmem>>
    %dma_start3A_79 = arith.constant 0 : i32
    %dma_start3A_80 = arith.constant 0 : i32
    %dma_start3A_81 = tpu.memref_slice %arg9[%dma_start3A_79, %dma_start3A_80] : memref<8448x64xi32, #tpu.memory_space<vmem_shared>> -> memref<8448x64xi32, #tpu.memory_space<vmem_shared>>
    tpu.enqueue_indirect_dma source(%dma_start3A_81 : memref<8448x64xi32, #tpu.memory_space<vmem_shared>>) target(%arg12 : memref<104x64xi32, #tpu.memory_space<vmem>>) offsets(%dma_start3A_78 : memref<104xi32, #tpu.memory_space<vmem>>) semaphore(%arg17 : memref<!tpu.dma_semaphore, #tpu.memory_space<semaphore_mem>>)
    %dma_start3A_82 = arith.constant 624 : i32
    %dma_start3A_83 = tpu.memref_slice %arg7[%dma_start3A_82] : memref<6656xi32, #tpu.memory_space<vmem>> -> memref<104xi32, #tpu.memory_space<vmem>>
    %dma_start3A_84 = arith.constant 624 : i32
    %dma_start3A_85 = tpu.memref_slice %arg6[%dma_start3A_84] : memref<6656xi32, #tpu.memory_space<vmem>> -> memref<104xi32, #tpu.memory_space<vmem>>
    %dma_start3A_86 = arith.constant 0 : i32
    %dma_start3A_87 = tpu.memref_slice %arg3[%dma_start3A_86] : memref<100096xi32, #tpu.memory_space<hbm>> -> memref<100096xi32, #tpu.memory_space<hbm>>
    tpu.enqueue_indirect_dma source(%dma_start3A_87 : memref<100096xi32, #tpu.memory_space<hbm>>) target(%dma_start3A_83 : memref<104xi32, #tpu.memory_space<vmem>>) offsets(%dma_start3A_85 : memref<104xi32, #tpu.memory_space<vmem>>) semaphore(%arg21 : memref<!tpu.dma_semaphore, #tpu.memory_space<semaphore_mem>>)
    %dma_wait3A_88 = arith.constant 312 : i32
    %dma_wait3A_89 = tpu.memref_slice %arg7[%dma_wait3A_88] : memref<6656xi32, #tpu.memory_space<vmem>> -> memref<104xi32, #tpu.memory_space<vmem>>
    %dma_wait3A_90 = arith.constant 312 : i32
    %dma_wait3A_91 = tpu.memref_slice %arg6[%dma_wait3A_90] : memref<6656xi32, #tpu.memory_space<vmem>> -> memref<104xi32, #tpu.memory_space<vmem>>
    %dma_wait3A_92 = arith.constant 0 : i32
    %dma_wait3A_93 = tpu.memref_slice %arg3[%dma_wait3A_92] : memref<100096xi32, #tpu.memory_space<hbm>> -> memref<100096xi32, #tpu.memory_space<hbm>>
    tpu.wait_indirect_dma semaphore(%arg22 : memref<!tpu.dma_semaphore, #tpu.memory_space<semaphore_mem>>) src(%dma_wait3A_93 : memref<100096xi32, #tpu.memory_space<hbm>>) dst(%dma_wait3A_89 : memref<104xi32, #tpu.memory_space<vmem>>)
    %dma_start3A_94 = arith.constant 312 : i32
    %dma_start3A_95 = tpu.memref_slice %arg7[%dma_start3A_94] : memref<6656xi32, #tpu.memory_space<vmem>> -> memref<104xi32, #tpu.memory_space<vmem>>
    %dma_start3A_96 = arith.constant 0 : i32
    %dma_start3A_97 = arith.constant 0 : i32
    %dma_start3A_98 = tpu.memref_slice %arg9[%dma_start3A_96, %dma_start3A_97] : memref<8448x64xi32, #tpu.memory_space<vmem_shared>> -> memref<8448x64xi32, #tpu.memory_space<vmem_shared>>
    tpu.enqueue_indirect_dma source(%dma_start3A_98 : memref<8448x64xi32, #tpu.memory_space<vmem_shared>>) target(%arg13 : memref<104x64xi32, #tpu.memory_space<vmem>>) offsets(%dma_start3A_95 : memref<104xi32, #tpu.memory_space<vmem>>) semaphore(%arg18 : memref<!tpu.dma_semaphore, #tpu.memory_space<semaphore_mem>>)
    %dma_start3A_99 = arith.constant 728 : i32
    %dma_start3A_100 = tpu.memref_slice %arg7[%dma_start3A_99] : memref<6656xi32, #tpu.memory_space<vmem>> -> memref<104xi32, #tpu.memory_space<vmem>>
    %dma_start3A_101 = arith.constant 728 : i32
    %dma_start3A_102 = tpu.memref_slice %arg6[%dma_start3A_101] : memref<6656xi32, #tpu.memory_space<vmem>> -> memref<104xi32, #tpu.memory_space<vmem>>
    %dma_start3A_103 = arith.constant 0 : i32
    %dma_start3A_104 = tpu.memref_slice %arg3[%dma_start3A_103] : memref<100096xi32, #tpu.memory_space<hbm>> -> memref<100096xi32, #tpu.memory_space<hbm>>
    tpu.enqueue_indirect_dma source(%dma_start3A_104 : memref<100096xi32, #tpu.memory_space<hbm>>) target(%dma_start3A_100 : memref<104xi32, #tpu.memory_space<vmem>>) offsets(%dma_start3A_102 : memref<104xi32, #tpu.memory_space<vmem>>) semaphore(%arg22 : memref<!tpu.dma_semaphore, #tpu.memory_space<semaphore_mem>>)
    %scan3A = arith.constant 0 : i32
    %scan3A_105 = arith.constant 0 : i32
    %scan3A_106 = arith.constant 16 : i32
    %scan3A_107 = arith.addi %scan3A_105, %scan3A_106 : i32
    %scan3A_108 = arith.constant 1 : i32
    scf.for %scan3A_112 = %scan3A_105 to %scan3A_107 step %scan3A_108  : i32 {
      %mul3A_113 = arith.constant 4 : i32
      %mul3A_114 = arith.muli %scan3A_112, %mul3A_113 : i32
      %add3A_115 = arith.constant 0 : i32
      %add3A_116 = arith.addi %mul3A_114, %add3A_115 : i32
      %mul3A_117 = arith.constant 104 : i32
      %mul3A_118 = arith.muli %add3A_116, %mul3A_117 : i32
      %dma_wait3A_119 = tpu.memref_slice %arg7[%mul3A_118] : memref<6656xi32, #tpu.memory_space<vmem>> -> memref<104xi32, #tpu.memory_space<vmem>>
      %dma_wait3A_120 = arith.constant 0 : i32
      %dma_wait3A_121 = arith.constant 0 : i32
      %dma_wait3A_122 = tpu.memref_slice %arg9[%dma_wait3A_120, %dma_wait3A_121] : memref<8448x64xi32, #tpu.memory_space<vmem_shared>> -> memref<8448x64xi32, #tpu.memory_space<vmem_shared>>
      tpu.wait_indirect_dma semaphore(%arg15 : memref<!tpu.dma_semaphore, #tpu.memory_space<semaphore_mem>>) src(%dma_wait3A_122 : memref<8448x64xi32, #tpu.memory_space<vmem_shared>>) dst(%arg10 : memref<104x64xi32, #tpu.memory_space<vmem>>)
      %broadcast_in_dim3A = arith.constant 0.000000e+00 : f32
      %broadcast_in_dim3A_123 = vector.broadcast %broadcast_in_dim3A : f32 to vector<16xf32>
      %broadcast_in_dim3A_124 = arith.constant 0.000000e+00 : f32
      %broadcast_in_dim3A_125 = vector.broadcast %broadcast_in_dim3A_124 : f32 to vector<16xf32>
      %broadcast_in_dim3A_126 = arith.constant 0.000000e+00 : f32
      %broadcast_in_dim3A_127 = vector.broadcast %broadcast_in_dim3A_126 : f32 to vector<16xf32>
      %broadcast_in_dim3A_128 = arith.constant 0.000000e+00 : f32
      %broadcast_in_dim3A_129 = vector.broadcast %broadcast_in_dim3A_128 : f32 to vector<16xf32>
      %broadcast_in_dim3A_130 = arith.constant 0.000000e+00 : f32
      %broadcast_in_dim3A_131 = vector.broadcast %broadcast_in_dim3A_130 : f32 to vector<16xf32>
      %broadcast_in_dim3A_132 = arith.constant 0.000000e+00 : f32
      %broadcast_in_dim3A_133 = vector.broadcast %broadcast_in_dim3A_132 : f32 to vector<16xf32>
      %broadcast_in_dim3A_134 = arith.constant 0.000000e+00 : f32
      %broadcast_in_dim3A_135 = vector.broadcast %broadcast_in_dim3A_134 : f32 to vector<16xf32>
      %broadcast_in_dim3A_136 = arith.constant 0.000000e+00 : f32
      %broadcast_in_dim3A_137 = vector.broadcast %broadcast_in_dim3A_136 : f32 to vector<16xf32>
      %scan3A_138 = arith.constant 0 : i32
      %scan3A_139 = arith.constant 50 : i32
      %scan3A_140 = arith.addi %scan3A_138, %scan3A_139 : i32
      %scan3A_141 = arith.constant 1 : i32
      %scan3A_142:8 = scf.for %scan3A_726 = %scan3A_138 to %scan3A_140 step %scan3A_141 iter_args(%scan3A_727 = %broadcast_in_dim3A_123, %scan3A_728 = %broadcast_in_dim3A_125, %scan3A_729 = %broadcast_in_dim3A_127, %scan3A_730 = %broadcast_in_dim3A_129, %scan3A_731 = %broadcast_in_dim3A_131, %scan3A_732 = %broadcast_in_dim3A_133, %scan3A_733 = %broadcast_in_dim3A_135, %scan3A_734 = %broadcast_in_dim3A_137) -> (vector<16xf32>, vector<16xf32>, vector<16xf32>, vector<16xf32>, vector<16xf32>, vector<16xf32>, vector<16xf32>, vector<16xf32>)  : i32 {
        %add3A_735 = arith.constant 0 : i32
        %add3A_736 = arith.addi %add3A_735, %scan3A_726 : i32
        %broadcast_in_dim3A_737 = arith.constant 16 : i32
        %broadcast_in_dim3A_738 = vector.broadcast %broadcast_in_dim3A_737 : i32 to vector<16xi32>
        %broadcast_in_dim3A_739 = arith.constant -65536 : i32
        %broadcast_in_dim3A_740 = vector.broadcast %broadcast_in_dim3A_739 : i32 to vector<16xi32>
        %get3A = arith.index_cast %add3A_736 : i32 to index
        %get3A_741 = arith.constant 0 : index
        %get3A_742 = tpu.vector_load %arg10[%get3A, %get3A_741] {strides = array<i32>} : memref<104x64xi32, #tpu.memory_space<vmem>>, vector<1x16xi32>,
        %get3A_743 = vector.shape_cast %get3A_742 : vector<1x16xi32> to vector<16xi32>
        %get3A_744 = arith.index_cast %add3A_736 : i32 to index
        %get3A_745 = arith.constant 16 : index
        %get3A_746 = tpu.vector_load %arg10[%get3A_744, %get3A_745] {strides = array<i32>} : memref<104x64xi32, #tpu.memory_space<vmem>>, vector<1x16xi32>,
        %get3A_747 = vector.shape_cast %get3A_746 : vector<1x16xi32> to vector<16xi32>
        %get3A_748 = arith.index_cast %add3A_736 : i32 to index
        %get3A_749 = arith.constant 32 : index
        %get3A_750 = tpu.vector_load %arg10[%get3A_748, %get3A_749] {strides = array<i32>} : memref<104x64xi32, #tpu.memory_space<vmem>>, vector<1x16xi32>,
        %get3A_751 = vector.shape_cast %get3A_750 : vector<1x16xi32> to vector<16xi32>
        %get3A_752 = arith.index_cast %add3A_736 : i32 to index
        %get3A_753 = arith.constant 48 : index
        %get3A_754 = tpu.vector_load %arg10[%get3A_752, %get3A_753] {strides = array<i32>} : memref<104x64xi32, #tpu.memory_space<vmem>>, vector<1x16xi32>,
        %get3A_755 = vector.shape_cast %get3A_754 : vector<1x16xi32> to vector<16xi32>
        %shift_left3A = arith.shli %get3A_743, %broadcast_in_dim3A_738 : vector<16xi32>
        %bitcast_convert_type3A = tpu.bitcast %shift_left3A : vector<16xi32> -> vector<16xf32>
        %add3A_756 = arith.addf %scan3A_727, %bitcast_convert_type3A : vector<16xf32>
        %shift_left3A_757 = arith.shli %get3A_747, %broadcast_in_dim3A_738 : vector<16xi32>
        %bitcast_convert_type3A_758 = tpu.bitcast %shift_left3A_757 : vector<16xi32> -> vector<16xf32>
        %add3A_759 = arith.addf %scan3A_728, %bitcast_convert_type3A_758 : vector<16xf32>
        %shift_left3A_760 = arith.shli %get3A_751, %broadcast_in_dim3A_738 : vector<16xi32>
        %bitcast_convert_type3A_761 = tpu.bitcast %shift_left3A_760 : vector<16xi32> -> vector<16xf32>
        %add3A_762 = arith.addf %scan3A_729, %bitcast_convert_type3A_761 : vector<16xf32>
        %shift_left3A_763 = arith.shli %get3A_755, %broadcast_in_dim3A_738 : vector<16xi32>
        %bitcast_convert_type3A_764 = tpu.bitcast %shift_left3A_763 : vector<16xi32> -> vector<16xf32>
        %add3A_765 = arith.addf %scan3A_730, %bitcast_convert_type3A_764 : vector<16xf32>
        %and3A = arith.andi %get3A_743, %broadcast_in_dim3A_740 : vector<16xi32>
        %bitcast_convert_type3A_766 = tpu.bitcast %and3A : vector<16xi32> -> vector<16xf32>
        %add3A_767 = arith.addf %scan3A_731, %bitcast_convert_type3A_766 : vector<16xf32>
        %and3A_768 = arith.andi %get3A_747, %broadcast_in_dim3A_740 : vector<16xi32>
        %bitcast_convert_type3A_769 = tpu.bitcast %and3A_768 : vector<16xi32> -> vector<16xf32>
        %add3A_770 = arith.addf %scan3A_732, %bitcast_convert_type3A_769 : vector<16xf32>
        %and3A_771 = arith.andi %get3A_751, %broadcast_in_dim3A_740 : vector<16xi32>
        %bitcast_convert_type3A_772 = tpu.bitcast %and3A_771 : vector<16xi32> -> vector<16xf32>
        %add3A_773 = arith.addf %scan3A_733, %bitcast_convert_type3A_772 : vector<16xf32>
        %and3A_774 = arith.andi %get3A_755, %broadcast_in_dim3A_740 : vector<16xi32>
        %bitcast_convert_type3A_775 = tpu.bitcast %and3A_774 : vector<16xi32> -> vector<16xf32>
        %add3A_776 = arith.addf %scan3A_734, %bitcast_convert_type3A_775 : vector<16xf32>
        scf.yield %add3A_756, %add3A_759, %add3A_762, %add3A_765, %add3A_767, %add3A_770, %add3A_773, %add3A_776 : vector<16xf32>, vector<16xf32>, vector<16xf32>, vector<16xf32>, vector<16xf32>, vector<16xf32>, vector<16xf32>, vector<16xf32>
      }
      %scan3A_143 = arith.constant 50 : i32
      %mul3A_144 = arith.constant 2 : i32
      %mul3A_145 = arith.muli %add3A_116, %mul3A_144 : i32
      %add3A_146 = arith.constant 0 : i32
      %add3A_147 = arith.addi %mul3A_145, %add3A_146 : i32
      %swap3A = arith.index_cast %add3A_147 : i32 to index
      %swap3A_148 = arith.constant 0 : index
      %swap3A_149 = tpu.vector_load %arg8[%swap3A, %swap3A_148] {strides = array<i32>} : memref<128x128xf32, #tpu.memory_space<vmem>>, vector<1x16xf32>,
      %swap3A_150 = vector.shape_cast %swap3A_149 : vector<1x16xf32> to vector<16xf32>
      %swap3A_151 = vector.shape_cast %scan3A_142#0 : vector<16xf32> to vector<1x16xf32>
      tpu.vector_store %arg8[%swap3A, %swap3A_148], %swap3A_151 {strides = array<i32>} : memref<128x128xf32, #tpu.memory_space<vmem>>, vector<1x16xf32>,
      %swap3A_152 = arith.index_cast %add3A_147 : i32 to index
      %swap3A_153 = arith.constant 64 : index
      %swap3A_154 = tpu.vector_load %arg8[%swap3A_152, %swap3A_153] {strides = array<i32>} : memref<128x128xf32, #tpu.memory_space<vmem>>, vector<1x16xf32>,
      %swap3A_155 = vector.shape_cast %swap3A_154 : vector<1x16xf32> to vector<16xf32>
      %swap3A_156 = vector.shape_cast %scan3A_142#4 : vector<16xf32> to vector<1x16xf32>
      tpu.vector_store %arg8[%swap3A_152, %swap3A_153], %swap3A_156 {strides = array<i32>} : memref<128x128xf32, #tpu.memory_space<vmem>>, vector<1x16xf32>,
      %swap3A_157 = arith.index_cast %add3A_147 : i32 to index
      %swap3A_158 = arith.constant 16 : index
      %swap3A_159 = tpu.vector_load %arg8[%swap3A_157, %swap3A_158] {strides = array<i32>} : memref<128x128xf32, #tpu.memory_space<vmem>>, vector<1x16xf32>,
      %swap3A_160 = vector.shape_cast %swap3A_159 : vector<1x16xf32> to vector<16xf32>
      %swap3A_161 = vector.shape_cast %scan3A_142#1 : vector<16xf32> to vector<1x16xf32>
      tpu.vector_store %arg8[%swap3A_157, %swap3A_158], %swap3A_161 {strides = array<i32>} : memref<128x128xf32, #tpu.memory_space<vmem>>, vector<1x16xf32>,
      %swap3A_162 = arith.index_cast %add3A_147 : i32 to index
      %swap3A_163 = arith.constant 80 : index
      %swap3A_164 = tpu.vector_load %arg8[%swap3A_162, %swap3A_163] {strides = array<i32>} : memref<128x128xf32, #tpu.memory_space<vmem>>, vector<1x16xf32>,
      %swap3A_165 = vector.shape_cast %swap3A_164 : vector<1x16xf32> to vector<16xf32>
      %swap3A_166 = vector.shape_cast %scan3A_142#5 : vector<16xf32> to vector<1x16xf32>
      tpu.vector_store %arg8[%swap3A_162, %swap3A_163], %swap3A_166 {strides = array<i32>} : memref<128x128xf32, #tpu.memory_space<vmem>>, vector<1x16xf32>,
      %swap3A_167 = arith.index_cast %add3A_147 : i32 to index
      %swap3A_168 = arith.constant 32 : index
      %swap3A_169 = tpu.vector_load %arg8[%swap3A_167, %swap3A_168] {strides = array<i32>} : memref<128x128xf32, #tpu.memory_space<vmem>>, vector<1x16xf32>,
      %swap3A_170 = vector.shape_cast %swap3A_169 : vector<1x16xf32> to vector<16xf32>
      %swap3A_171 = vector.shape_cast %scan3A_142#2 : vector<16xf32> to vector<1x16xf32>
      tpu.vector_store %arg8[%swap3A_167, %swap3A_168], %swap3A_171 {strides = array<i32>} : memref<128x128xf32, #tpu.memory_space<vmem>>, vector<1x16xf32>,
      %swap3A_172 = arith.index_cast %add3A_147 : i32 to index
      %swap3A_173 = arith.constant 96 : index
      %swap3A_174 = tpu.vector_load %arg8[%swap3A_172, %swap3A_173] {strides = array<i32>} : memref<128x128xf32, #tpu.memory_space<vmem>>, vector<1x16xf32>,
      %swap3A_175 = vector.shape_cast %swap3A_174 : vector<1x16xf32> to vector<16xf32>
      %swap3A_176 = vector.shape_cast %scan3A_142#6 : vector<16xf32> to vector<1x16xf32>
      tpu.vector_store %arg8[%swap3A_172, %swap3A_173], %swap3A_176 {strides = array<i32>} : memref<128x128xf32, #tpu.memory_space<vmem>>, vector<1x16xf32>,
      %swap3A_177 = arith.index_cast %add3A_147 : i32 to index
      %swap3A_178 = arith.constant 48 : index
      %swap3A_179 = tpu.vector_load %arg8[%swap3A_177, %swap3A_178] {strides = array<i32>} : memref<128x128xf32, #tpu.memory_space<vmem>>, vector<1x16xf32>,
      %swap3A_180 = vector.shape_cast %swap3A_179 : vector<1x16xf32> to vector<16xf32>
      %swap3A_181 = vector.shape_cast %scan3A_142#3 : vector<16xf32> to vector<1x16xf32>
      tpu.vector_store %arg8[%swap3A_177, %swap3A_178], %swap3A_181 {strides = array<i32>} : memref<128x128xf32, #tpu.memory_space<vmem>>, vector<1x16xf32>,
      %swap3A_182 = arith.index_cast %add3A_147 : i32 to index
      %swap3A_183 = arith.constant 112 : index
      %swap3A_184 = tpu.vector_load %arg8[%swap3A_182, %swap3A_183] {strides = array<i32>} : memref<128x128xf32, #tpu.memory_space<vmem>>, vector<1x16xf32>,
      %swap3A_185 = vector.shape_cast %swap3A_184 : vector<1x16xf32> to vector<16xf32>
      %swap3A_186 = vector.shape_cast %scan3A_142#7 : vector<16xf32> to vector<1x16xf32>
      tpu.vector_store %arg8[%swap3A_182, %swap3A_183], %swap3A_186 {strides = array<i32>} : memref<128x128xf32, #tpu.memory_space<vmem>>, vector<1x16xf32>,
      %broadcast_in_dim3A_187 = arith.constant 0.000000e+00 : f32
      %broadcast_in_dim3A_188 = vector.broadcast %broadcast_in_dim3A_187 : f32 to vector<16xf32>
      %broadcast_in_dim3A_189 = arith.constant 0.000000e+00 : f32
      %broadcast_in_dim3A_190 = vector.broadcast %broadcast_in_dim3A_189 : f32 to vector<16xf32>
      %broadcast_in_dim3A_191 = arith.constant 0.000000e+00 : f32
      %broadcast_in_dim3A_192 = vector.broadcast %broadcast_in_dim3A_191 : f32 to vector<16xf32>
      %broadcast_in_dim3A_193 = arith.constant 0.000000e+00 : f32
      %broadcast_in_dim3A_194 = vector.broadcast %broadcast_in_dim3A_193 : f32 to vector<16xf32>
      %broadcast_in_dim3A_195 = arith.constant 0.000000e+00 : f32
      %broadcast_in_dim3A_196 = vector.broadcast %broadcast_in_dim3A_195 : f32 to vector<16xf32>
      %broadcast_in_dim3A_197 = arith.constant 0.000000e+00 : f32
      %broadcast_in_dim3A_198 = vector.broadcast %broadcast_in_dim3A_197 : f32 to vector<16xf32>
      %broadcast_in_dim3A_199 = arith.constant 0.000000e+00 : f32
      %broadcast_in_dim3A_200 = vector.broadcast %broadcast_in_dim3A_199 : f32 to vector<16xf32>
      %broadcast_in_dim3A_201 = arith.constant 0.000000e+00 : f32
      %broadcast_in_dim3A_202 = vector.broadcast %broadcast_in_dim3A_201 : f32 to vector<16xf32>
      %scan3A_203 = arith.constant 0 : i32
      %scan3A_204 = arith.constant 50 : i32
      %scan3A_205 = arith.addi %scan3A_203, %scan3A_204 : i32
      %scan3A_206 = arith.constant 1 : i32
      %scan3A_207:8 = scf.for %scan3A_726 = %scan3A_203 to %scan3A_205 step %scan3A_206 iter_args(%scan3A_727 = %broadcast_in_dim3A_188, %scan3A_728 = %broadcast_in_dim3A_190, %scan3A_729 = %broadcast_in_dim3A_192, %scan3A_730 = %broadcast_in_dim3A_194, %scan3A_731 = %broadcast_in_dim3A_196, %scan3A_732 = %broadcast_in_dim3A_198, %scan3A_733 = %broadcast_in_dim3A_200, %scan3A_734 = %broadcast_in_dim3A_202) -> (vector<16xf32>, vector<16xf32>, vector<16xf32>, vector<16xf32>, vector<16xf32>, vector<16xf32>, vector<16xf32>, vector<16xf32>)  : i32 {
        %add3A_735 = arith.constant 50 : i32
        %add3A_736 = arith.addi %add3A_735, %scan3A_726 : i32
        %broadcast_in_dim3A_737 = arith.constant 16 : i32
        %broadcast_in_dim3A_738 = vector.broadcast %broadcast_in_dim3A_737 : i32 to vector<16xi32>
        %broadcast_in_dim3A_739 = arith.constant -65536 : i32
        %broadcast_in_dim3A_740 = vector.broadcast %broadcast_in_dim3A_739 : i32 to vector<16xi32>
        %get3A = arith.index_cast %add3A_736 : i32 to index
        %get3A_741 = arith.constant 0 : index
        %get3A_742 = tpu.vector_load %arg10[%get3A, %get3A_741] {strides = array<i32>} : memref<104x64xi32, #tpu.memory_space<vmem>>, vector<1x16xi32>,
        %get3A_743 = vector.shape_cast %get3A_742 : vector<1x16xi32> to vector<16xi32>
        %get3A_744 = arith.index_cast %add3A_736 : i32 to index
        %get3A_745 = arith.constant 16 : index
        %get3A_746 = tpu.vector_load %arg10[%get3A_744, %get3A_745] {strides = array<i32>} : memref<104x64xi32, #tpu.memory_space<vmem>>, vector<1x16xi32>,
        %get3A_747 = vector.shape_cast %get3A_746 : vector<1x16xi32> to vector<16xi32>
        %get3A_748 = arith.index_cast %add3A_736 : i32 to index
        %get3A_749 = arith.constant 32 : index
        %get3A_750 = tpu.vector_load %arg10[%get3A_748, %get3A_749] {strides = array<i32>} : memref<104x64xi32, #tpu.memory_space<vmem>>, vector<1x16xi32>,
        %get3A_751 = vector.shape_cast %get3A_750 : vector<1x16xi32> to vector<16xi32>
        %get3A_752 = arith.index_cast %add3A_736 : i32 to index
        %get3A_753 = arith.constant 48 : index
        %get3A_754 = tpu.vector_load %arg10[%get3A_752, %get3A_753] {strides = array<i32>} : memref<104x64xi32, #tpu.memory_space<vmem>>, vector<1x16xi32>,
        %get3A_755 = vector.shape_cast %get3A_754 : vector<1x16xi32> to vector<16xi32>
        %shift_left3A = arith.shli %get3A_743, %broadcast_in_dim3A_738 : vector<16xi32>
        %bitcast_convert_type3A = tpu.bitcast %shift_left3A : vector<16xi32> -> vector<16xf32>
        %add3A_756 = arith.addf %scan3A_727, %bitcast_convert_type3A : vector<16xf32>
        %shift_left3A_757 = arith.shli %get3A_747, %broadcast_in_dim3A_738 : vector<16xi32>
        %bitcast_convert_type3A_758 = tpu.bitcast %shift_left3A_757 : vector<16xi32> -> vector<16xf32>
        %add3A_759 = arith.addf %scan3A_728, %bitcast_convert_type3A_758 : vector<16xf32>
        %shift_left3A_760 = arith.shli %get3A_751, %broadcast_in_dim3A_738 : vector<16xi32>
        %bitcast_convert_type3A_761 = tpu.bitcast %shift_left3A_760 : vector<16xi32> -> vector<16xf32>
        %add3A_762 = arith.addf %scan3A_729, %bitcast_convert_type3A_761 : vector<16xf32>
        %shift_left3A_763 = arith.shli %get3A_755, %broadcast_in_dim3A_738 : vector<16xi32>
        %bitcast_convert_type3A_764 = tpu.bitcast %shift_left3A_763 : vector<16xi32> -> vector<16xf32>
        %add3A_765 = arith.addf %scan3A_730, %bitcast_convert_type3A_764 : vector<16xf32>
        %and3A = arith.andi %get3A_743, %broadcast_in_dim3A_740 : vector<16xi32>
        %bitcast_convert_type3A_766 = tpu.bitcast %and3A : vector<16xi32> -> vector<16xf32>
        %add3A_767 = arith.addf %scan3A_731, %bitcast_convert_type3A_766 : vector<16xf32>
        %and3A_768 = arith.andi %get3A_747, %broadcast_in_dim3A_740 : vector<16xi32>
        %bitcast_convert_type3A_769 = tpu.bitcast %and3A_768 : vector<16xi32> -> vector<16xf32>
        %add3A_770 = arith.addf %scan3A_732, %bitcast_convert_type3A_769 : vector<16xf32>
        %and3A_771 = arith.andi %get3A_751, %broadcast_in_dim3A_740 : vector<16xi32>
        %bitcast_convert_type3A_772 = tpu.bitcast %and3A_771 : vector<16xi32> -> vector<16xf32>
        %add3A_773 = arith.addf %scan3A_733, %bitcast_convert_type3A_772 : vector<16xf32>
        %and3A_774 = arith.andi %get3A_755, %broadcast_in_dim3A_740 : vector<16xi32>
        %bitcast_convert_type3A_775 = tpu.bitcast %and3A_774 : vector<16xi32> -> vector<16xf32>
        %add3A_776 = arith.addf %scan3A_734, %bitcast_convert_type3A_775 : vector<16xf32>
        scf.yield %add3A_756, %add3A_759, %add3A_762, %add3A_765, %add3A_767, %add3A_770, %add3A_773, %add3A_776 : vector<16xf32>, vector<16xf32>, vector<16xf32>, vector<16xf32>, vector<16xf32>, vector<16xf32>, vector<16xf32>, vector<16xf32>
      }
      %scan3A_208 = arith.constant 50 : i32
      %mul3A_209 = arith.constant 2 : i32
      %mul3A_210 = arith.muli %add3A_116, %mul3A_209 : i32
      %add3A_211 = arith.constant 1 : i32
      %add3A_212 = arith.addi %mul3A_210, %add3A_211 : i32
      %swap3A_213 = arith.index_cast %add3A_212 : i32 to index
      %swap3A_214 = arith.constant 0 : index
      %swap3A_215 = tpu.vector_load %arg8[%swap3A_213, %swap3A_214] {strides = array<i32>} : memref<128x128xf32, #tpu.memory_space<vmem>>, vector<1x16xf32>,
      %swap3A_216 = vector.shape_cast %swap3A_215 : vector<1x16xf32> to vector<16xf32>
      %swap3A_217 = vector.shape_cast %scan3A_207#0 : vector<16xf32> to vector<1x16xf32>
      tpu.vector_store %arg8[%swap3A_213, %swap3A_214], %swap3A_217 {strides = array<i32>} : memref<128x128xf32, #tpu.memory_space<vmem>>, vector<1x16xf32>,
      %swap3A_218 = arith.index_cast %add3A_212 : i32 to index
      %swap3A_219 = arith.constant 64 : index
      %swap3A_220 = tpu.vector_load %arg8[%swap3A_218, %swap3A_219] {strides = array<i32>} : memref<128x128xf32, #tpu.memory_space<vmem>>, vector<1x16xf32>,
      %swap3A_221 = vector.shape_cast %swap3A_220 : vector<1x16xf32> to vector<16xf32>
      %swap3A_222 = vector.shape_cast %scan3A_207#4 : vector<16xf32> to vector<1x16xf32>
      tpu.vector_store %arg8[%swap3A_218, %swap3A_219], %swap3A_222 {strides = array<i32>} : memref<128x128xf32, #tpu.memory_space<vmem>>, vector<1x16xf32>,
      %swap3A_223 = arith.index_cast %add3A_212 : i32 to index
      %swap3A_224 = arith.constant 16 : index
      %swap3A_225 = tpu.vector_load %arg8[%swap3A_223, %swap3A_224] {strides = array<i32>} : memref<128x128xf32, #tpu.memory_space<vmem>>, vector<1x16xf32>,
      %swap3A_226 = vector.shape_cast %swap3A_225 : vector<1x16xf32> to vector<16xf32>
      %swap3A_227 = vector.shape_cast %scan3A_207#1 : vector<16xf32> to vector<1x16xf32>
      tpu.vector_store %arg8[%swap3A_223, %swap3A_224], %swap3A_227 {strides = array<i32>} : memref<128x128xf32, #tpu.memory_space<vmem>>, vector<1x16xf32>,
      %swap3A_228 = arith.index_cast %add3A_212 : i32 to index
      %swap3A_229 = arith.constant 80 : index
      %swap3A_230 = tpu.vector_load %arg8[%swap3A_228, %swap3A_229] {strides = array<i32>} : memref<128x128xf32, #tpu.memory_space<vmem>>, vector<1x16xf32>,
      %swap3A_231 = vector.shape_cast %swap3A_230 : vector<1x16xf32> to vector<16xf32>
      %swap3A_232 = vector.shape_cast %scan3A_207#5 : vector<16xf32> to vector<1x16xf32>
      tpu.vector_store %arg8[%swap3A_228, %swap3A_229], %swap3A_232 {strides = array<i32>} : memref<128x128xf32, #tpu.memory_space<vmem>>, vector<1x16xf32>,
      %swap3A_233 = arith.index_cast %add3A_212 : i32 to index
      %swap3A_234 = arith.constant 32 : index
      %swap3A_235 = tpu.vector_load %arg8[%swap3A_233, %swap3A_234] {strides = array<i32>} : memref<128x128xf32, #tpu.memory_space<vmem>>, vector<1x16xf32>,
      %swap3A_236 = vector.shape_cast %swap3A_235 : vector<1x16xf32> to vector<16xf32>
      %swap3A_237 = vector.shape_cast %scan3A_207#2 : vector<16xf32> to vector<1x16xf32>
      tpu.vector_store %arg8[%swap3A_233, %swap3A_234], %swap3A_237 {strides = array<i32>} : memref<128x128xf32, #tpu.memory_space<vmem>>, vector<1x16xf32>,
      %swap3A_238 = arith.index_cast %add3A_212 : i32 to index
      %swap3A_239 = arith.constant 96 : index
      %swap3A_240 = tpu.vector_load %arg8[%swap3A_238, %swap3A_239] {strides = array<i32>} : memref<128x128xf32, #tpu.memory_space<vmem>>, vector<1x16xf32>,
      %swap3A_241 = vector.shape_cast %swap3A_240 : vector<1x16xf32> to vector<16xf32>
      %swap3A_242 = vector.shape_cast %scan3A_207#6 : vector<16xf32> to vector<1x16xf32>
      tpu.vector_store %arg8[%swap3A_238, %swap3A_239], %swap3A_242 {strides = array<i32>} : memref<128x128xf32, #tpu.memory_space<vmem>>, vector<1x16xf32>,
      %swap3A_243 = arith.index_cast %add3A_212 : i32 to index
      %swap3A_244 = arith.constant 48 : index
      %swap3A_245 = tpu.vector_load %arg8[%swap3A_243, %swap3A_244] {strides = array<i32>} : memref<128x128xf32, #tpu.memory_space<vmem>>, vector<1x16xf32>,
      %swap3A_246 = vector.shape_cast %swap3A_245 : vector<1x16xf32> to vector<16xf32>
      %swap3A_247 = vector.shape_cast %scan3A_207#3 : vector<16xf32> to vector<1x16xf32>
      tpu.vector_store %arg8[%swap3A_243, %swap3A_244], %swap3A_247 {strides = array<i32>} : memref<128x128xf32, #tpu.memory_space<vmem>>, vector<1x16xf32>,
      %swap3A_248 = arith.index_cast %add3A_212 : i32 to index
      %swap3A_249 = arith.constant 112 : index
      %swap3A_250 = tpu.vector_load %arg8[%swap3A_248, %swap3A_249] {strides = array<i32>} : memref<128x128xf32, #tpu.memory_space<vmem>>, vector<1x16xf32>,
      %swap3A_251 = vector.shape_cast %swap3A_250 : vector<1x16xf32> to vector<16xf32>
      %swap3A_252 = vector.shape_cast %scan3A_207#7 : vector<16xf32> to vector<1x16xf32>
      tpu.vector_store %arg8[%swap3A_248, %swap3A_249], %swap3A_252 {strides = array<i32>} : memref<128x128xf32, #tpu.memory_space<vmem>>, vector<1x16xf32>,
      %add3A_253 = arith.constant 4 : i32
      %add3A_254 = arith.addi %add3A_116, %add3A_253 : i32
      %lt3A = arith.constant 64 : i32
      %lt3A_255 = arith.cmpi slt, %add3A_254, %lt3A : i32
      %convert_element_type3A = arith.extui %lt3A_255 : i1 to i32
      %cond3A = arith.constant 0 : i32
      %cond3A_256 = arith.cmpi ne, %convert_element_type3A, %cond3A : i32
      scf.if %cond3A_256 {
        %add3A_726 = arith.constant 4 : i32
        %add3A_727 = arith.addi %add3A_116, %add3A_726 : i32
        %mul3A_728 = arith.constant 104 : i32
        %mul3A_729 = arith.muli %add3A_727, %mul3A_728 : i32
        %dma_wait3A_730 = tpu.memref_slice %arg7[%mul3A_729] : memref<6656xi32, #tpu.memory_space<vmem>> -> memref<104xi32, #tpu.memory_space<vmem>>
        %dma_wait3A_731 = tpu.memref_slice %arg6[%mul3A_729] : memref<6656xi32, #tpu.memory_space<vmem>> -> memref<104xi32, #tpu.memory_space<vmem>>
        %dma_wait3A_732 = arith.constant 0 : i32
        %dma_wait3A_733 = tpu.memref_slice %arg3[%dma_wait3A_732] : memref<100096xi32, #tpu.memory_space<hbm>> -> memref<100096xi32, #tpu.memory_space<hbm>>
        tpu.wait_indirect_dma semaphore(%arg19 : memref<!tpu.dma_semaphore, #tpu.memory_space<semaphore_mem>>) src(%dma_wait3A_733 : memref<100096xi32, #tpu.memory_space<hbm>>) dst(%dma_wait3A_730 : memref<104xi32, #tpu.memory_space<vmem>>)
        %add3A_734 = arith.constant 4 : i32
        %add3A_735 = arith.addi %add3A_116, %add3A_734 : i32
        %mul3A_736 = arith.constant 104 : i32
        %mul3A_737 = arith.muli %add3A_735, %mul3A_736 : i32
        %dma_start3A_738 = tpu.memref_slice %arg7[%mul3A_737] : memref<6656xi32, #tpu.memory_space<vmem>> -> memref<104xi32, #tpu.memory_space<vmem>>
        %dma_start3A_739 = arith.constant 0 : i32
        %dma_start3A_740 = arith.constant 0 : i32
        %dma_start3A_741 = tpu.memref_slice %arg9[%dma_start3A_739, %dma_start3A_740] : memref<8448x64xi32, #tpu.memory_space<vmem_shared>> -> memref<8448x64xi32, #tpu.memory_space<vmem_shared>>
        tpu.enqueue_indirect_dma source(%dma_start3A_741 : memref<8448x64xi32, #tpu.memory_space<vmem_shared>>) target(%arg10 : memref<104x64xi32, #tpu.memory_space<vmem>>) offsets(%dma_start3A_738 : memref<104xi32, #tpu.memory_space<vmem>>) semaphore(%arg15 : memref<!tpu.dma_semaphore, #tpu.memory_space<semaphore_mem>>)
      } else {
      }
      %add3A_257 = arith.constant 8 : i32
      %add3A_258 = arith.addi %add3A_116, %add3A_257 : i32
      %lt3A_259 = arith.constant 64 : i32
      %lt3A_260 = arith.cmpi slt, %add3A_258, %lt3A_259 : i32
      %convert_element_type3A_261 = arith.extui %lt3A_260 : i1 to i32
      %cond3A_262 = arith.constant 0 : i32
      %cond3A_263 = arith.cmpi ne, %convert_element_type3A_261, %cond3A_262 : i32
      scf.if %cond3A_263 {
        %add3A_726 = arith.constant 8 : i32
        %add3A_727 = arith.addi %add3A_116, %add3A_726 : i32
        %mul3A_728 = arith.constant 104 : i32
        %mul3A_729 = arith.muli %add3A_727, %mul3A_728 : i32
        %dma_start3A_730 = tpu.memref_slice %arg7[%mul3A_729] : memref<6656xi32, #tpu.memory_space<vmem>> -> memref<104xi32, #tpu.memory_space<vmem>>
        %dma_start3A_731 = tpu.memref_slice %arg6[%mul3A_729] : memref<6656xi32, #tpu.memory_space<vmem>> -> memref<104xi32, #tpu.memory_space<vmem>>
        %dma_start3A_732 = arith.constant 0 : i32
        %dma_start3A_733 = tpu.memref_slice %arg3[%dma_start3A_732] : memref<100096xi32, #tpu.memory_space<hbm>> -> memref<100096xi32, #tpu.memory_space<hbm>>
        tpu.enqueue_indirect_dma source(%dma_start3A_733 : memref<100096xi32, #tpu.memory_space<hbm>>) target(%dma_start3A_730 : memref<104xi32, #tpu.memory_space<vmem>>) offsets(%dma_start3A_731 : memref<104xi32, #tpu.memory_space<vmem>>) semaphore(%arg19 : memref<!tpu.dma_semaphore, #tpu.memory_space<semaphore_mem>>)
      } else {
      }
      %add3A_264 = arith.constant 1 : i32
      %add3A_265 = arith.addi %mul3A_114, %add3A_264 : i32
      %mul3A_266 = arith.constant 104 : i32
      %mul3A_267 = arith.muli %add3A_265, %mul3A_266 : i32
      %dma_wait3A_268 = tpu.memref_slice %arg7[%mul3A_267] : memref<6656xi32, #tpu.memory_space<vmem>> -> memref<104xi32, #tpu.memory_space<vmem>>
      %dma_wait3A_269 = arith.constant 0 : i32
      %dma_wait3A_270 = arith.constant 0 : i32
      %dma_wait3A_271 = tpu.memref_slice %arg9[%dma_wait3A_269, %dma_wait3A_270] : memref<8448x64xi32, #tpu.memory_space<vmem_shared>> -> memref<8448x64xi32, #tpu.memory_space<vmem_shared>>
      tpu.wait_indirect_dma semaphore(%arg16 : memref<!tpu.dma_semaphore, #tpu.memory_space<semaphore_mem>>) src(%dma_wait3A_271 : memref<8448x64xi32, #tpu.memory_space<vmem_shared>>) dst(%arg11 : memref<104x64xi32, #tpu.memory_space<vmem>>)
      %broadcast_in_dim3A_272 = arith.constant 0.000000e+00 : f32
      %broadcast_in_dim3A_273 = vector.broadcast %broadcast_in_dim3A_272 : f32 to vector<16xf32>
      %broadcast_in_dim3A_274 = arith.constant 0.000000e+00 : f32
      %broadcast_in_dim3A_275 = vector.broadcast %broadcast_in_dim3A_274 : f32 to vector<16xf32>
      %broadcast_in_dim3A_276 = arith.constant 0.000000e+00 : f32
      %broadcast_in_dim3A_277 = vector.broadcast %broadcast_in_dim3A_276 : f32 to vector<16xf32>
      %broadcast_in_dim3A_278 = arith.constant 0.000000e+00 : f32
      %broadcast_in_dim3A_279 = vector.broadcast %broadcast_in_dim3A_278 : f32 to vector<16xf32>
      %broadcast_in_dim3A_280 = arith.constant 0.000000e+00 : f32
      %broadcast_in_dim3A_281 = vector.broadcast %broadcast_in_dim3A_280 : f32 to vector<16xf32>
      %broadcast_in_dim3A_282 = arith.constant 0.000000e+00 : f32
      %broadcast_in_dim3A_283 = vector.broadcast %broadcast_in_dim3A_282 : f32 to vector<16xf32>
      %broadcast_in_dim3A_284 = arith.constant 0.000000e+00 : f32
      %broadcast_in_dim3A_285 = vector.broadcast %broadcast_in_dim3A_284 : f32 to vector<16xf32>
      %broadcast_in_dim3A_286 = arith.constant 0.000000e+00 : f32
      %broadcast_in_dim3A_287 = vector.broadcast %broadcast_in_dim3A_286 : f32 to vector<16xf32>
      %scan3A_288 = arith.constant 0 : i32
      %scan3A_289 = arith.constant 50 : i32
      %scan3A_290 = arith.addi %scan3A_288, %scan3A_289 : i32
      %scan3A_291 = arith.constant 1 : i32
      %scan3A_292:8 = scf.for %scan3A_726 = %scan3A_288 to %scan3A_290 step %scan3A_291 iter_args(%scan3A_727 = %broadcast_in_dim3A_273, %scan3A_728 = %broadcast_in_dim3A_275, %scan3A_729 = %broadcast_in_dim3A_277, %scan3A_730 = %broadcast_in_dim3A_279, %scan3A_731 = %broadcast_in_dim3A_281, %scan3A_732 = %broadcast_in_dim3A_283, %scan3A_733 = %broadcast_in_dim3A_285, %scan3A_734 = %broadcast_in_dim3A_287) -> (vector<16xf32>, vector<16xf32>, vector<16xf32>, vector<16xf32>, vector<16xf32>, vector<16xf32>, vector<16xf32>, vector<16xf32>)  : i32 {
        %add3A_735 = arith.constant 0 : i32
        %add3A_736 = arith.addi %add3A_735, %scan3A_726 : i32
        %broadcast_in_dim3A_737 = arith.constant 16 : i32
        %broadcast_in_dim3A_738 = vector.broadcast %broadcast_in_dim3A_737 : i32 to vector<16xi32>
        %broadcast_in_dim3A_739 = arith.constant -65536 : i32
        %broadcast_in_dim3A_740 = vector.broadcast %broadcast_in_dim3A_739 : i32 to vector<16xi32>
        %get3A = arith.index_cast %add3A_736 : i32 to index
        %get3A_741 = arith.constant 0 : index
        %get3A_742 = tpu.vector_load %arg11[%get3A, %get3A_741] {strides = array<i32>} : memref<104x64xi32, #tpu.memory_space<vmem>>, vector<1x16xi32>,
        %get3A_743 = vector.shape_cast %get3A_742 : vector<1x16xi32> to vector<16xi32>
        %get3A_744 = arith.index_cast %add3A_736 : i32 to index
        %get3A_745 = arith.constant 16 : index
        %get3A_746 = tpu.vector_load %arg11[%get3A_744, %get3A_745] {strides = array<i32>} : memref<104x64xi32, #tpu.memory_space<vmem>>, vector<1x16xi32>,
        %get3A_747 = vector.shape_cast %get3A_746 : vector<1x16xi32> to vector<16xi32>
        %get3A_748 = arith.index_cast %add3A_736 : i32 to index
        %get3A_749 = arith.constant 32 : index
        %get3A_750 = tpu.vector_load %arg11[%get3A_748, %get3A_749] {strides = array<i32>} : memref<104x64xi32, #tpu.memory_space<vmem>>, vector<1x16xi32>,
        %get3A_751 = vector.shape_cast %get3A_750 : vector<1x16xi32> to vector<16xi32>
        %get3A_752 = arith.index_cast %add3A_736 : i32 to index
        %get3A_753 = arith.constant 48 : index
        %get3A_754 = tpu.vector_load %arg11[%get3A_752, %get3A_753] {strides = array<i32>} : memref<104x64xi32, #tpu.memory_space<vmem>>, vector<1x16xi32>,
        %get3A_755 = vector.shape_cast %get3A_754 : vector<1x16xi32> to vector<16xi32>
        %shift_left3A = arith.shli %get3A_743, %broadcast_in_dim3A_738 : vector<16xi32>
        %bitcast_convert_type3A = tpu.bitcast %shift_left3A : vector<16xi32> -> vector<16xf32>
        %add3A_756 = arith.addf %scan3A_727, %bitcast_convert_type3A : vector<16xf32>
        %shift_left3A_757 = arith.shli %get3A_747, %broadcast_in_dim3A_738 : vector<16xi32>
        %bitcast_convert_type3A_758 = tpu.bitcast %shift_left3A_757 : vector<16xi32> -> vector<16xf32>
        %add3A_759 = arith.addf %scan3A_728, %bitcast_convert_type3A_758 : vector<16xf32>
        %shift_left3A_760 = arith.shli %get3A_751, %broadcast_in_dim3A_738 : vector<16xi32>
        %bitcast_convert_type3A_761 = tpu.bitcast %shift_left3A_760 : vector<16xi32> -> vector<16xf32>
        %add3A_762 = arith.addf %scan3A_729, %bitcast_convert_type3A_761 : vector<16xf32>
        %shift_left3A_763 = arith.shli %get3A_755, %broadcast_in_dim3A_738 : vector<16xi32>
        %bitcast_convert_type3A_764 = tpu.bitcast %shift_left3A_763 : vector<16xi32> -> vector<16xf32>
        %add3A_765 = arith.addf %scan3A_730, %bitcast_convert_type3A_764 : vector<16xf32>
        %and3A = arith.andi %get3A_743, %broadcast_in_dim3A_740 : vector<16xi32>
        %bitcast_convert_type3A_766 = tpu.bitcast %and3A : vector<16xi32> -> vector<16xf32>
        %add3A_767 = arith.addf %scan3A_731, %bitcast_convert_type3A_766 : vector<16xf32>
        %and3A_768 = arith.andi %get3A_747, %broadcast_in_dim3A_740 : vector<16xi32>
        %bitcast_convert_type3A_769 = tpu.bitcast %and3A_768 : vector<16xi32> -> vector<16xf32>
        %add3A_770 = arith.addf %scan3A_732, %bitcast_convert_type3A_769 : vector<16xf32>
        %and3A_771 = arith.andi %get3A_751, %broadcast_in_dim3A_740 : vector<16xi32>
        %bitcast_convert_type3A_772 = tpu.bitcast %and3A_771 : vector<16xi32> -> vector<16xf32>
        %add3A_773 = arith.addf %scan3A_733, %bitcast_convert_type3A_772 : vector<16xf32>
        %and3A_774 = arith.andi %get3A_755, %broadcast_in_dim3A_740 : vector<16xi32>
        %bitcast_convert_type3A_775 = tpu.bitcast %and3A_774 : vector<16xi32> -> vector<16xf32>
        %add3A_776 = arith.addf %scan3A_734, %bitcast_convert_type3A_775 : vector<16xf32>
        scf.yield %add3A_756, %add3A_759, %add3A_762, %add3A_765, %add3A_767, %add3A_770, %add3A_773, %add3A_776 : vector<16xf32>, vector<16xf32>, vector<16xf32>, vector<16xf32>, vector<16xf32>, vector<16xf32>, vector<16xf32>, vector<16xf32>
      }
      %scan3A_293 = arith.constant 50 : i32
      %mul3A_294 = arith.constant 2 : i32
      %mul3A_295 = arith.muli %add3A_265, %mul3A_294 : i32
      %add3A_296 = arith.constant 0 : i32
      %add3A_297 = arith.addi %mul3A_295, %add3A_296 : i32
      %swap3A_298 = arith.index_cast %add3A_297 : i32 to index
      %swap3A_299 = arith.constant 0 : index
      %swap3A_300 = tpu.vector_load %arg8[%swap3A_298, %swap3A_299] {strides = array<i32>} : memref<128x128xf32, #tpu.memory_space<vmem>>, vector<1x16xf32>,
      %swap3A_301 = vector.shape_cast %swap3A_300 : vector<1x16xf32> to vector<16xf32>
      %swap3A_302 = vector.shape_cast %scan3A_292#0 : vector<16xf32> to vector<1x16xf32>
      tpu.vector_store %arg8[%swap3A_298, %swap3A_299], %swap3A_302 {strides = array<i32>} : memref<128x128xf32, #tpu.memory_space<vmem>>, vector<1x16xf32>,
      %swap3A_303 = arith.index_cast %add3A_297 : i32 to index
      %swap3A_304 = arith.constant 64 : index
      %swap3A_305 = tpu.vector_load %arg8[%swap3A_303, %swap3A_304] {strides = array<i32>} : memref<128x128xf32, #tpu.memory_space<vmem>>, vector<1x16xf32>,
      %swap3A_306 = vector.shape_cast %swap3A_305 : vector<1x16xf32> to vector<16xf32>
      %swap3A_307 = vector.shape_cast %scan3A_292#4 : vector<16xf32> to vector<1x16xf32>
      tpu.vector_store %arg8[%swap3A_303, %swap3A_304], %swap3A_307 {strides = array<i32>} : memref<128x128xf32, #tpu.memory_space<vmem>>, vector<1x16xf32>,
      %swap3A_308 = arith.index_cast %add3A_297 : i32 to index
      %swap3A_309 = arith.constant 16 : index
      %swap3A_310 = tpu.vector_load %arg8[%swap3A_308, %swap3A_309] {strides = array<i32>} : memref<128x128xf32, #tpu.memory_space<vmem>>, vector<1x16xf32>,
      %swap3A_311 = vector.shape_cast %swap3A_310 : vector<1x16xf32> to vector<16xf32>
      %swap3A_312 = vector.shape_cast %scan3A_292#1 : vector<16xf32> to vector<1x16xf32>
      tpu.vector_store %arg8[%swap3A_308, %swap3A_309], %swap3A_312 {strides = array<i32>} : memref<128x128xf32, #tpu.memory_space<vmem>>, vector<1x16xf32>,
      %swap3A_313 = arith.index_cast %add3A_297 : i32 to index
      %swap3A_314 = arith.constant 80 : index
      %swap3A_315 = tpu.vector_load %arg8[%swap3A_313, %swap3A_314] {strides = array<i32>} : memref<128x128xf32, #tpu.memory_space<vmem>>, vector<1x16xf32>,
      %swap3A_316 = vector.shape_cast %swap3A_315 : vector<1x16xf32> to vector<16xf32>
      %swap3A_317 = vector.shape_cast %scan3A_292#5 : vector<16xf32> to vector<1x16xf32>
      tpu.vector_store %arg8[%swap3A_313, %swap3A_314], %swap3A_317 {strides = array<i32>} : memref<128x128xf32, #tpu.memory_space<vmem>>, vector<1x16xf32>,
      %swap3A_318 = arith.index_cast %add3A_297 : i32 to index
      %swap3A_319 = arith.constant 32 : index
      %swap3A_320 = tpu.vector_load %arg8[%swap3A_318, %swap3A_319] {strides = array<i32>} : memref<128x128xf32, #tpu.memory_space<vmem>>, vector<1x16xf32>,
      %swap3A_321 = vector.shape_cast %swap3A_320 : vector<1x16xf32> to vector<16xf32>
      %swap3A_322 = vector.shape_cast %scan3A_292#2 : vector<16xf32> to vector<1x16xf32>
      tpu.vector_store %arg8[%swap3A_318, %swap3A_319], %swap3A_322 {strides = array<i32>} : memref<128x128xf32, #tpu.memory_space<vmem>>, vector<1x16xf32>,
      %swap3A_323 = arith.index_cast %add3A_297 : i32 to index
      %swap3A_324 = arith.constant 96 : index
      %swap3A_325 = tpu.vector_load %arg8[%swap3A_323, %swap3A_324] {strides = array<i32>} : memref<128x128xf32, #tpu.memory_space<vmem>>, vector<1x16xf32>,
      %swap3A_326 = vector.shape_cast %swap3A_325 : vector<1x16xf32> to vector<16xf32>
      %swap3A_327 = vector.shape_cast %scan3A_292#6 : vector<16xf32> to vector<1x16xf32>
      tpu.vector_store %arg8[%swap3A_323, %swap3A_324], %swap3A_327 {strides = array<i32>} : memref<128x128xf32, #tpu.memory_space<vmem>>, vector<1x16xf32>,
      %swap3A_328 = arith.index_cast %add3A_297 : i32 to index
      %swap3A_329 = arith.constant 48 : index
      %swap3A_330 = tpu.vector_load %arg8[%swap3A_328, %swap3A_329] {strides = array<i32>} : memref<128x128xf32, #tpu.memory_space<vmem>>, vector<1x16xf32>,
      %swap3A_331 = vector.shape_cast %swap3A_330 : vector<1x16xf32> to vector<16xf32>
      %swap3A_332 = vector.shape_cast %scan3A_292#3 : vector<16xf32> to vector<1x16xf32>
      tpu.vector_store %arg8[%swap3A_328, %swap3A_329], %swap3A_332 {strides = array<i32>} : memref<128x128xf32, #tpu.memory_space<vmem>>, vector<1x16xf32>,
      %swap3A_333 = arith.index_cast %add3A_297 : i32 to index
      %swap3A_334 = arith.constant 112 : index
      %swap3A_335 = tpu.vector_load %arg8[%swap3A_333, %swap3A_334] {strides = array<i32>} : memref<128x128xf32, #tpu.memory_space<vmem>>, vector<1x16xf32>,
      %swap3A_336 = vector.shape_cast %swap3A_335 : vector<1x16xf32> to vector<16xf32>
      %swap3A_337 = vector.shape_cast %scan3A_292#7 : vector<16xf32> to vector<1x16xf32>
      tpu.vector_store %arg8[%swap3A_333, %swap3A_334], %swap3A_337 {strides = array<i32>} : memref<128x128xf32, #tpu.memory_space<vmem>>, vector<1x16xf32>,
      %broadcast_in_dim3A_338 = arith.constant 0.000000e+00 : f32
      %broadcast_in_dim3A_339 = vector.broadcast %broadcast_in_dim3A_338 : f32 to vector<16xf32>
      %broadcast_in_dim3A_340 = arith.constant 0.000000e+00 : f32
      %broadcast_in_dim3A_341 = vector.broadcast %broadcast_in_dim3A_340 : f32 to vector<16xf32>
      %broadcast_in_dim3A_342 = arith.constant 0.000000e+00 : f32
      %broadcast_in_dim3A_343 = vector.broadcast %broadcast_in_dim3A_342 : f32 to vector<16xf32>
      %broadcast_in_dim3A_344 = arith.constant 0.000000e+00 : f32
      %broadcast_in_dim3A_345 = vector.broadcast %broadcast_in_dim3A_344 : f32 to vector<16xf32>
      %broadcast_in_dim3A_346 = arith.constant 0.000000e+00 : f32
      %broadcast_in_dim3A_347 = vector.broadcast %broadcast_in_dim3A_346 : f32 to vector<16xf32>
      %broadcast_in_dim3A_348 = arith.constant 0.000000e+00 : f32
      %broadcast_in_dim3A_349 = vector.broadcast %broadcast_in_dim3A_348 : f32 to vector<16xf32>
      %broadcast_in_dim3A_350 = arith.constant 0.000000e+00 : f32
      %broadcast_in_dim3A_351 = vector.broadcast %broadcast_in_dim3A_350 : f32 to vector<16xf32>
      %broadcast_in_dim3A_352 = arith.constant 0.000000e+00 : f32
      %broadcast_in_dim3A_353 = vector.broadcast %broadcast_in_dim3A_352 : f32 to vector<16xf32>
      %scan3A_354 = arith.constant 0 : i32
      %scan3A_355 = arith.constant 50 : i32
      %scan3A_356 = arith.addi %scan3A_354, %scan3A_355 : i32
      %scan3A_357 = arith.constant 1 : i32
      %scan3A_358:8 = scf.for %scan3A_726 = %scan3A_354 to %scan3A_356 step %scan3A_357 iter_args(%scan3A_727 = %broadcast_in_dim3A_339, %scan3A_728 = %broadcast_in_dim3A_341, %scan3A_729 = %broadcast_in_dim3A_343, %scan3A_730 = %broadcast_in_dim3A_345, %scan3A_731 = %broadcast_in_dim3A_347, %scan3A_732 = %broadcast_in_dim3A_349, %scan3A_733 = %broadcast_in_dim3A_351, %scan3A_734 = %broadcast_in_dim3A_353) -> (vector<16xf32>, vector<16xf32>, vector<16xf32>, vector<16xf32>, vector<16xf32>, vector<16xf32>, vector<16xf32>, vector<16xf32>)  : i32 {
        %add3A_735 = arith.constant 50 : i32
        %add3A_736 = arith.addi %add3A_735, %scan3A_726 : i32
        %broadcast_in_dim3A_737 = arith.constant 16 : i32
        %broadcast_in_dim3A_738 = vector.broadcast %broadcast_in_dim3A_737 : i32 to vector<16xi32>
        %broadcast_in_dim3A_739 = arith.constant -65536 : i32
        %broadcast_in_dim3A_740 = vector.broadcast %broadcast_in_dim3A_739 : i32 to vector<16xi32>
        %get3A = arith.index_cast %add3A_736 : i32 to index
        %get3A_741 = arith.constant 0 : index
        %get3A_742 = tpu.vector_load %arg11[%get3A, %get3A_741] {strides = array<i32>} : memref<104x64xi32, #tpu.memory_space<vmem>>, vector<1x16xi32>,
        %get3A_743 = vector.shape_cast %get3A_742 : vector<1x16xi32> to vector<16xi32>
        %get3A_744 = arith.index_cast %add3A_736 : i32 to index
        %get3A_745 = arith.constant 16 : index
        %get3A_746 = tpu.vector_load %arg11[%get3A_744, %get3A_745] {strides = array<i32>} : memref<104x64xi32, #tpu.memory_space<vmem>>, vector<1x16xi32>,
        %get3A_747 = vector.shape_cast %get3A_746 : vector<1x16xi32> to vector<16xi32>
        %get3A_748 = arith.index_cast %add3A_736 : i32 to index
        %get3A_749 = arith.constant 32 : index
        %get3A_750 = tpu.vector_load %arg11[%get3A_748, %get3A_749] {strides = array<i32>} : memref<104x64xi32, #tpu.memory_space<vmem>>, vector<1x16xi32>,
        %get3A_751 = vector.shape_cast %get3A_750 : vector<1x16xi32> to vector<16xi32>
        %get3A_752 = arith.index_cast %add3A_736 : i32 to index
        %get3A_753 = arith.constant 48 : index
        %get3A_754 = tpu.vector_load %arg11[%get3A_752, %get3A_753] {strides = array<i32>} : memref<104x64xi32, #tpu.memory_space<vmem>>, vector<1x16xi32>,
        %get3A_755 = vector.shape_cast %get3A_754 : vector<1x16xi32> to vector<16xi32>
        %shift_left3A = arith.shli %get3A_743, %broadcast_in_dim3A_738 : vector<16xi32>
        %bitcast_convert_type3A = tpu.bitcast %shift_left3A : vector<16xi32> -> vector<16xf32>
        %add3A_756 = arith.addf %scan3A_727, %bitcast_convert_type3A : vector<16xf32>
        %shift_left3A_757 = arith.shli %get3A_747, %broadcast_in_dim3A_738 : vector<16xi32>
        %bitcast_convert_type3A_758 = tpu.bitcast %shift_left3A_757 : vector<16xi32> -> vector<16xf32>
        %add3A_759 = arith.addf %scan3A_728, %bitcast_convert_type3A_758 : vector<16xf32>
        %shift_left3A_760 = arith.shli %get3A_751, %broadcast_in_dim3A_738 : vector<16xi32>
        %bitcast_convert_type3A_761 = tpu.bitcast %shift_left3A_760 : vector<16xi32> -> vector<16xf32>
        %add3A_762 = arith.addf %scan3A_729, %bitcast_convert_type3A_761 : vector<16xf32>
        %shift_left3A_763 = arith.shli %get3A_755, %broadcast_in_dim3A_738 : vector<16xi32>
        %bitcast_convert_type3A_764 = tpu.bitcast %shift_left3A_763 : vector<16xi32> -> vector<16xf32>
        %add3A_765 = arith.addf %scan3A_730, %bitcast_convert_type3A_764 : vector<16xf32>
        %and3A = arith.andi %get3A_743, %broadcast_in_dim3A_740 : vector<16xi32>
        %bitcast_convert_type3A_766 = tpu.bitcast %and3A : vector<16xi32> -> vector<16xf32>
        %add3A_767 = arith.addf %scan3A_731, %bitcast_convert_type3A_766 : vector<16xf32>
        %and3A_768 = arith.andi %get3A_747, %broadcast_in_dim3A_740 : vector<16xi32>
        %bitcast_convert_type3A_769 = tpu.bitcast %and3A_768 : vector<16xi32> -> vector<16xf32>
        %add3A_770 = arith.addf %scan3A_732, %bitcast_convert_type3A_769 : vector<16xf32>
        %and3A_771 = arith.andi %get3A_751, %broadcast_in_dim3A_740 : vector<16xi32>
        %bitcast_convert_type3A_772 = tpu.bitcast %and3A_771 : vector<16xi32> -> vector<16xf32>
        %add3A_773 = arith.addf %scan3A_733, %bitcast_convert_type3A_772 : vector<16xf32>
        %and3A_774 = arith.andi %get3A_755, %broadcast_in_dim3A_740 : vector<16xi32>
        %bitcast_convert_type3A_775 = tpu.bitcast %and3A_774 : vector<16xi32> -> vector<16xf32>
        %add3A_776 = arith.addf %scan3A_734, %bitcast_convert_type3A_775 : vector<16xf32>
        scf.yield %add3A_756, %add3A_759, %add3A_762, %add3A_765, %add3A_767, %add3A_770, %add3A_773, %add3A_776 : vector<16xf32>, vector<16xf32>, vector<16xf32>, vector<16xf32>, vector<16xf32>, vector<16xf32>, vector<16xf32>, vector<16xf32>
      }
      %scan3A_359 = arith.constant 50 : i32
      %mul3A_360 = arith.constant 2 : i32
      %mul3A_361 = arith.muli %add3A_265, %mul3A_360 : i32
      %add3A_362 = arith.constant 1 : i32
      %add3A_363 = arith.addi %mul3A_361, %add3A_362 : i32
      %swap3A_364 = arith.index_cast %add3A_363 : i32 to index
      %swap3A_365 = arith.constant 0 : index
      %swap3A_366 = tpu.vector_load %arg8[%swap3A_364, %swap3A_365] {strides = array<i32>} : memref<128x128xf32, #tpu.memory_space<vmem>>, vector<1x16xf32>,
      %swap3A_367 = vector.shape_cast %swap3A_366 : vector<1x16xf32> to vector<16xf32>
      %swap3A_368 = vector.shape_cast %scan3A_358#0 : vector<16xf32> to vector<1x16xf32>
      tpu.vector_store %arg8[%swap3A_364, %swap3A_365], %swap3A_368 {strides = array<i32>} : memref<128x128xf32, #tpu.memory_space<vmem>>, vector<1x16xf32>,
      %swap3A_369 = arith.index_cast %add3A_363 : i32 to index
      %swap3A_370 = arith.constant 64 : index
      %swap3A_371 = tpu.vector_load %arg8[%swap3A_369, %swap3A_370] {strides = array<i32>} : memref<128x128xf32, #tpu.memory_space<vmem>>, vector<1x16xf32>,
      %swap3A_372 = vector.shape_cast %swap3A_371 : vector<1x16xf32> to vector<16xf32>
      %swap3A_373 = vector.shape_cast %scan3A_358#4 : vector<16xf32> to vector<1x16xf32>
      tpu.vector_store %arg8[%swap3A_369, %swap3A_370], %swap3A_373 {strides = array<i32>} : memref<128x128xf32, #tpu.memory_space<vmem>>, vector<1x16xf32>,
      %swap3A_374 = arith.index_cast %add3A_363 : i32 to index
      %swap3A_375 = arith.constant 16 : index
      %swap3A_376 = tpu.vector_load %arg8[%swap3A_374, %swap3A_375] {strides = array<i32>} : memref<128x128xf32, #tpu.memory_space<vmem>>, vector<1x16xf32>,
      %swap3A_377 = vector.shape_cast %swap3A_376 : vector<1x16xf32> to vector<16xf32>
      %swap3A_378 = vector.shape_cast %scan3A_358#1 : vector<16xf32> to vector<1x16xf32>
      tpu.vector_store %arg8[%swap3A_374, %swap3A_375], %swap3A_378 {strides = array<i32>} : memref<128x128xf32, #tpu.memory_space<vmem>>, vector<1x16xf32>,
      %swap3A_379 = arith.index_cast %add3A_363 : i32 to index
      %swap3A_380 = arith.constant 80 : index
      %swap3A_381 = tpu.vector_load %arg8[%swap3A_379, %swap3A_380] {strides = array<i32>} : memref<128x128xf32, #tpu.memory_space<vmem>>, vector<1x16xf32>,
      %swap3A_382 = vector.shape_cast %swap3A_381 : vector<1x16xf32> to vector<16xf32>
      %swap3A_383 = vector.shape_cast %scan3A_358#5 : vector<16xf32> to vector<1x16xf32>
      tpu.vector_store %arg8[%swap3A_379, %swap3A_380], %swap3A_383 {strides = array<i32>} : memref<128x128xf32, #tpu.memory_space<vmem>>, vector<1x16xf32>,
      %swap3A_384 = arith.index_cast %add3A_363 : i32 to index
      %swap3A_385 = arith.constant 32 : index
      %swap3A_386 = tpu.vector_load %arg8[%swap3A_384, %swap3A_385] {strides = array<i32>} : memref<128x128xf32, #tpu.memory_space<vmem>>, vector<1x16xf32>,
      %swap3A_387 = vector.shape_cast %swap3A_386 : vector<1x16xf32> to vector<16xf32>
      %swap3A_388 = vector.shape_cast %scan3A_358#2 : vector<16xf32> to vector<1x16xf32>
      tpu.vector_store %arg8[%swap3A_384, %swap3A_385], %swap3A_388 {strides = array<i32>} : memref<128x128xf32, #tpu.memory_space<vmem>>, vector<1x16xf32>,
      %swap3A_389 = arith.index_cast %add3A_363 : i32 to index
      %swap3A_390 = arith.constant 96 : index
      %swap3A_391 = tpu.vector_load %arg8[%swap3A_389, %swap3A_390] {strides = array<i32>} : memref<128x128xf32, #tpu.memory_space<vmem>>, vector<1x16xf32>,
      %swap3A_392 = vector.shape_cast %swap3A_391 : vector<1x16xf32> to vector<16xf32>
      %swap3A_393 = vector.shape_cast %scan3A_358#6 : vector<16xf32> to vector<1x16xf32>
      tpu.vector_store %arg8[%swap3A_389, %swap3A_390], %swap3A_393 {strides = array<i32>} : memref<128x128xf32, #tpu.memory_space<vmem>>, vector<1x16xf32>,
      %swap3A_394 = arith.index_cast %add3A_363 : i32 to index
      %swap3A_395 = arith.constant 48 : index
      %swap3A_396 = tpu.vector_load %arg8[%swap3A_394, %swap3A_395] {strides = array<i32>} : memref<128x128xf32, #tpu.memory_space<vmem>>, vector<1x16xf32>,
      %swap3A_397 = vector.shape_cast %swap3A_396 : vector<1x16xf32> to vector<16xf32>
      %swap3A_398 = vector.shape_cast %scan3A_358#3 : vector<16xf32> to vector<1x16xf32>
      tpu.vector_store %arg8[%swap3A_394, %swap3A_395], %swap3A_398 {strides = array<i32>} : memref<128x128xf32, #tpu.memory_space<vmem>>, vector<1x16xf32>,
      %swap3A_399 = arith.index_cast %add3A_363 : i32 to index
      %swap3A_400 = arith.constant 112 : index
      %swap3A_401 = tpu.vector_load %arg8[%swap3A_399, %swap3A_400] {strides = array<i32>} : memref<128x128xf32, #tpu.memory_space<vmem>>, vector<1x16xf32>,
      %swap3A_402 = vector.shape_cast %swap3A_401 : vector<1x16xf32> to vector<16xf32>
      %swap3A_403 = vector.shape_cast %scan3A_358#7 : vector<16xf32> to vector<1x16xf32>
      tpu.vector_store %arg8[%swap3A_399, %swap3A_400], %swap3A_403 {strides = array<i32>} : memref<128x128xf32, #tpu.memory_space<vmem>>, vector<1x16xf32>,
      %add3A_404 = arith.constant 4 : i32
      %add3A_405 = arith.addi %add3A_265, %add3A_404 : i32
      %lt3A_406 = arith.constant 64 : i32
      %lt3A_407 = arith.cmpi slt, %add3A_405, %lt3A_406 : i32
      %convert_element_type3A_408 = arith.extui %lt3A_407 : i1 to i32
      %cond3A_409 = arith.constant 0 : i32
      %cond3A_410 = arith.cmpi ne, %convert_element_type3A_408, %cond3A_409 : i32
      scf.if %cond3A_410 {
        %add3A_726 = arith.constant 4 : i32
        %add3A_727 = arith.addi %add3A_265, %add3A_726 : i32
        %mul3A_728 = arith.constant 104 : i32
        %mul3A_729 = arith.muli %add3A_727, %mul3A_728 : i32
        %dma_wait3A_730 = tpu.memref_slice %arg7[%mul3A_729] : memref<6656xi32, #tpu.memory_space<vmem>> -> memref<104xi32, #tpu.memory_space<vmem>>
        %dma_wait3A_731 = tpu.memref_slice %arg6[%mul3A_729] : memref<6656xi32, #tpu.memory_space<vmem>> -> memref<104xi32, #tpu.memory_space<vmem>>
        %dma_wait3A_732 = arith.constant 0 : i32
        %dma_wait3A_733 = tpu.memref_slice %arg3[%dma_wait3A_732] : memref<100096xi32, #tpu.memory_space<hbm>> -> memref<100096xi32, #tpu.memory_space<hbm>>
        tpu.wait_indirect_dma semaphore(%arg20 : memref<!tpu.dma_semaphore, #tpu.memory_space<semaphore_mem>>) src(%dma_wait3A_733 : memref<100096xi32, #tpu.memory_space<hbm>>) dst(%dma_wait3A_730 : memref<104xi32, #tpu.memory_space<vmem>>)
        %add3A_734 = arith.constant 4 : i32
        %add3A_735 = arith.addi %add3A_265, %add3A_734 : i32
        %mul3A_736 = arith.constant 104 : i32
        %mul3A_737 = arith.muli %add3A_735, %mul3A_736 : i32
        %dma_start3A_738 = tpu.memref_slice %arg7[%mul3A_737] : memref<6656xi32, #tpu.memory_space<vmem>> -> memref<104xi32, #tpu.memory_space<vmem>>
        %dma_start3A_739 = arith.constant 0 : i32
        %dma_start3A_740 = arith.constant 0 : i32
        %dma_start3A_741 = tpu.memref_slice %arg9[%dma_start3A_739, %dma_start3A_740] : memref<8448x64xi32, #tpu.memory_space<vmem_shared>> -> memref<8448x64xi32, #tpu.memory_space<vmem_shared>>
        tpu.enqueue_indirect_dma source(%dma_start3A_741 : memref<8448x64xi32, #tpu.memory_space<vmem_shared>>) target(%arg11 : memref<104x64xi32, #tpu.memory_space<vmem>>) offsets(%dma_start3A_738 : memref<104xi32, #tpu.memory_space<vmem>>) semaphore(%arg16 : memref<!tpu.dma_semaphore, #tpu.memory_space<semaphore_mem>>)
      } else {
      }
      %add3A_411 = arith.constant 8 : i32
      %add3A_412 = arith.addi %add3A_265, %add3A_411 : i32
      %lt3A_413 = arith.constant 64 : i32
      %lt3A_414 = arith.cmpi slt, %add3A_412, %lt3A_413 : i32
      %convert_element_type3A_415 = arith.extui %lt3A_414 : i1 to i32
      %cond3A_416 = arith.constant 0 : i32
      %cond3A_417 = arith.cmpi ne, %convert_element_type3A_415, %cond3A_416 : i32
      scf.if %cond3A_417 {
        %add3A_726 = arith.constant 8 : i32
        %add3A_727 = arith.addi %add3A_265, %add3A_726 : i32
        %mul3A_728 = arith.constant 104 : i32
        %mul3A_729 = arith.muli %add3A_727, %mul3A_728 : i32
        %dma_start3A_730 = tpu.memref_slice %arg7[%mul3A_729] : memref<6656xi32, #tpu.memory_space<vmem>> -> memref<104xi32, #tpu.memory_space<vmem>>
        %dma_start3A_731 = tpu.memref_slice %arg6[%mul3A_729] : memref<6656xi32, #tpu.memory_space<vmem>> -> memref<104xi32, #tpu.memory_space<vmem>>
        %dma_start3A_732 = arith.constant 0 : i32
        %dma_start3A_733 = tpu.memref_slice %arg3[%dma_start3A_732] : memref<100096xi32, #tpu.memory_space<hbm>> -> memref<100096xi32, #tpu.memory_space<hbm>>
        tpu.enqueue_indirect_dma source(%dma_start3A_733 : memref<100096xi32, #tpu.memory_space<hbm>>) target(%dma_start3A_730 : memref<104xi32, #tpu.memory_space<vmem>>) offsets(%dma_start3A_731 : memref<104xi32, #tpu.memory_space<vmem>>) semaphore(%arg20 : memref<!tpu.dma_semaphore, #tpu.memory_space<semaphore_mem>>)
      } else {
      }
      %add3A_418 = arith.constant 2 : i32
      %add3A_419 = arith.addi %mul3A_114, %add3A_418 : i32
      %mul3A_420 = arith.constant 104 : i32
      %mul3A_421 = arith.muli %add3A_419, %mul3A_420 : i32
      %dma_wait3A_422 = tpu.memref_slice %arg7[%mul3A_421] : memref<6656xi32, #tpu.memory_space<vmem>> -> memref<104xi32, #tpu.memory_space<vmem>>
      %dma_wait3A_423 = arith.constant 0 : i32
      %dma_wait3A_424 = arith.constant 0 : i32
      %dma_wait3A_425 = tpu.memref_slice %arg9[%dma_wait3A_423, %dma_wait3A_424] : memref<8448x64xi32, #tpu.memory_space<vmem_shared>> -> memref<8448x64xi32, #tpu.memory_space<vmem_shared>>
      tpu.wait_indirect_dma semaphore(%arg17 : memref<!tpu.dma_semaphore, #tpu.memory_space<semaphore_mem>>) src(%dma_wait3A_425 : memref<8448x64xi32, #tpu.memory_space<vmem_shared>>) dst(%arg12 : memref<104x64xi32, #tpu.memory_space<vmem>>)
      %broadcast_in_dim3A_426 = arith.constant 0.000000e+00 : f32
      %broadcast_in_dim3A_427 = vector.broadcast %broadcast_in_dim3A_426 : f32 to vector<16xf32>
      %broadcast_in_dim3A_428 = arith.constant 0.000000e+00 : f32
      %broadcast_in_dim3A_429 = vector.broadcast %broadcast_in_dim3A_428 : f32 to vector<16xf32>
      %broadcast_in_dim3A_430 = arith.constant 0.000000e+00 : f32
      %broadcast_in_dim3A_431 = vector.broadcast %broadcast_in_dim3A_430 : f32 to vector<16xf32>
      %broadcast_in_dim3A_432 = arith.constant 0.000000e+00 : f32
      %broadcast_in_dim3A_433 = vector.broadcast %broadcast_in_dim3A_432 : f32 to vector<16xf32>
      %broadcast_in_dim3A_434 = arith.constant 0.000000e+00 : f32
      %broadcast_in_dim3A_435 = vector.broadcast %broadcast_in_dim3A_434 : f32 to vector<16xf32>
      %broadcast_in_dim3A_436 = arith.constant 0.000000e+00 : f32
      %broadcast_in_dim3A_437 = vector.broadcast %broadcast_in_dim3A_436 : f32 to vector<16xf32>
      %broadcast_in_dim3A_438 = arith.constant 0.000000e+00 : f32
      %broadcast_in_dim3A_439 = vector.broadcast %broadcast_in_dim3A_438 : f32 to vector<16xf32>
      %broadcast_in_dim3A_440 = arith.constant 0.000000e+00 : f32
      %broadcast_in_dim3A_441 = vector.broadcast %broadcast_in_dim3A_440 : f32 to vector<16xf32>
      %scan3A_442 = arith.constant 0 : i32
      %scan3A_443 = arith.constant 50 : i32
      %scan3A_444 = arith.addi %scan3A_442, %scan3A_443 : i32
      %scan3A_445 = arith.constant 1 : i32
      %scan3A_446:8 = scf.for %scan3A_726 = %scan3A_442 to %scan3A_444 step %scan3A_445 iter_args(%scan3A_727 = %broadcast_in_dim3A_427, %scan3A_728 = %broadcast_in_dim3A_429, %scan3A_729 = %broadcast_in_dim3A_431, %scan3A_730 = %broadcast_in_dim3A_433, %scan3A_731 = %broadcast_in_dim3A_435, %scan3A_732 = %broadcast_in_dim3A_437, %scan3A_733 = %broadcast_in_dim3A_439, %scan3A_734 = %broadcast_in_dim3A_441) -> (vector<16xf32>, vector<16xf32>, vector<16xf32>, vector<16xf32>, vector<16xf32>, vector<16xf32>, vector<16xf32>, vector<16xf32>)  : i32 {
        %add3A_735 = arith.constant 0 : i32
        %add3A_736 = arith.addi %add3A_735, %scan3A_726 : i32
        %broadcast_in_dim3A_737 = arith.constant 16 : i32
        %broadcast_in_dim3A_738 = vector.broadcast %broadcast_in_dim3A_737 : i32 to vector<16xi32>
        %broadcast_in_dim3A_739 = arith.constant -65536 : i32
        %broadcast_in_dim3A_740 = vector.broadcast %broadcast_in_dim3A_739 : i32 to vector<16xi32>
        %get3A = arith.index_cast %add3A_736 : i32 to index
        %get3A_741 = arith.constant 0 : index
        %get3A_742 = tpu.vector_load %arg12[%get3A, %get3A_741] {strides = array<i32>} : memref<104x64xi32, #tpu.memory_space<vmem>>, vector<1x16xi32>,
        %get3A_743 = vector.shape_cast %get3A_742 : vector<1x16xi32> to vector<16xi32>
        %get3A_744 = arith.index_cast %add3A_736 : i32 to index
        %get3A_745 = arith.constant 16 : index
        %get3A_746 = tpu.vector_load %arg12[%get3A_744, %get3A_745] {strides = array<i32>} : memref<104x64xi32, #tpu.memory_space<vmem>>, vector<1x16xi32>,
        %get3A_747 = vector.shape_cast %get3A_746 : vector<1x16xi32> to vector<16xi32>
        %get3A_748 = arith.index_cast %add3A_736 : i32 to index
        %get3A_749 = arith.constant 32 : index
        %get3A_750 = tpu.vector_load %arg12[%get3A_748, %get3A_749] {strides = array<i32>} : memref<104x64xi32, #tpu.memory_space<vmem>>, vector<1x16xi32>,
        %get3A_751 = vector.shape_cast %get3A_750 : vector<1x16xi32> to vector<16xi32>
        %get3A_752 = arith.index_cast %add3A_736 : i32 to index
        %get3A_753 = arith.constant 48 : index
        %get3A_754 = tpu.vector_load %arg12[%get3A_752, %get3A_753] {strides = array<i32>} : memref<104x64xi32, #tpu.memory_space<vmem>>, vector<1x16xi32>,
        %get3A_755 = vector.shape_cast %get3A_754 : vector<1x16xi32> to vector<16xi32>
        %shift_left3A = arith.shli %get3A_743, %broadcast_in_dim3A_738 : vector<16xi32>
        %bitcast_convert_type3A = tpu.bitcast %shift_left3A : vector<16xi32> -> vector<16xf32>
        %add3A_756 = arith.addf %scan3A_727, %bitcast_convert_type3A : vector<16xf32>
        %shift_left3A_757 = arith.shli %get3A_747, %broadcast_in_dim3A_738 : vector<16xi32>
        %bitcast_convert_type3A_758 = tpu.bitcast %shift_left3A_757 : vector<16xi32> -> vector<16xf32>
        %add3A_759 = arith.addf %scan3A_728, %bitcast_convert_type3A_758 : vector<16xf32>
        %shift_left3A_760 = arith.shli %get3A_751, %broadcast_in_dim3A_738 : vector<16xi32>
        %bitcast_convert_type3A_761 = tpu.bitcast %shift_left3A_760 : vector<16xi32> -> vector<16xf32>
        %add3A_762 = arith.addf %scan3A_729, %bitcast_convert_type3A_761 : vector<16xf32>
        %shift_left3A_763 = arith.shli %get3A_755, %broadcast_in_dim3A_738 : vector<16xi32>
        %bitcast_convert_type3A_764 = tpu.bitcast %shift_left3A_763 : vector<16xi32> -> vector<16xf32>
        %add3A_765 = arith.addf %scan3A_730, %bitcast_convert_type3A_764 : vector<16xf32>
        %and3A = arith.andi %get3A_743, %broadcast_in_dim3A_740 : vector<16xi32>
        %bitcast_convert_type3A_766 = tpu.bitcast %and3A : vector<16xi32> -> vector<16xf32>
        %add3A_767 = arith.addf %scan3A_731, %bitcast_convert_type3A_766 : vector<16xf32>
        %and3A_768 = arith.andi %get3A_747, %broadcast_in_dim3A_740 : vector<16xi32>
        %bitcast_convert_type3A_769 = tpu.bitcast %and3A_768 : vector<16xi32> -> vector<16xf32>
        %add3A_770 = arith.addf %scan3A_732, %bitcast_convert_type3A_769 : vector<16xf32>
        %and3A_771 = arith.andi %get3A_751, %broadcast_in_dim3A_740 : vector<16xi32>
        %bitcast_convert_type3A_772 = tpu.bitcast %and3A_771 : vector<16xi32> -> vector<16xf32>
        %add3A_773 = arith.addf %scan3A_733, %bitcast_convert_type3A_772 : vector<16xf32>
        %and3A_774 = arith.andi %get3A_755, %broadcast_in_dim3A_740 : vector<16xi32>
        %bitcast_convert_type3A_775 = tpu.bitcast %and3A_774 : vector<16xi32> -> vector<16xf32>
        %add3A_776 = arith.addf %scan3A_734, %bitcast_convert_type3A_775 : vector<16xf32>
        scf.yield %add3A_756, %add3A_759, %add3A_762, %add3A_765, %add3A_767, %add3A_770, %add3A_773, %add3A_776 : vector<16xf32>, vector<16xf32>, vector<16xf32>, vector<16xf32>, vector<16xf32>, vector<16xf32>, vector<16xf32>, vector<16xf32>
      }
      %scan3A_447 = arith.constant 50 : i32
      %mul3A_448 = arith.constant 2 : i32
      %mul3A_449 = arith.muli %add3A_419, %mul3A_448 : i32
      %add3A_450 = arith.constant 0 : i32
      %add3A_451 = arith.addi %mul3A_449, %add3A_450 : i32
      %swap3A_452 = arith.index_cast %add3A_451 : i32 to index
      %swap3A_453 = arith.constant 0 : index
      %swap3A_454 = tpu.vector_load %arg8[%swap3A_452, %swap3A_453] {strides = array<i32>} : memref<128x128xf32, #tpu.memory_space<vmem>>, vector<1x16xf32>,
      %swap3A_455 = vector.shape_cast %swap3A_454 : vector<1x16xf32> to vector<16xf32>
      %swap3A_456 = vector.shape_cast %scan3A_446#0 : vector<16xf32> to vector<1x16xf32>
      tpu.vector_store %arg8[%swap3A_452, %swap3A_453], %swap3A_456 {strides = array<i32>} : memref<128x128xf32, #tpu.memory_space<vmem>>, vector<1x16xf32>,
      %swap3A_457 = arith.index_cast %add3A_451 : i32 to index
      %swap3A_458 = arith.constant 64 : index
      %swap3A_459 = tpu.vector_load %arg8[%swap3A_457, %swap3A_458] {strides = array<i32>} : memref<128x128xf32, #tpu.memory_space<vmem>>, vector<1x16xf32>,
      %swap3A_460 = vector.shape_cast %swap3A_459 : vector<1x16xf32> to vector<16xf32>
      %swap3A_461 = vector.shape_cast %scan3A_446#4 : vector<16xf32> to vector<1x16xf32>
      tpu.vector_store %arg8[%swap3A_457, %swap3A_458], %swap3A_461 {strides = array<i32>} : memref<128x128xf32, #tpu.memory_space<vmem>>, vector<1x16xf32>,
      %swap3A_462 = arith.index_cast %add3A_451 : i32 to index
      %swap3A_463 = arith.constant 16 : index
      %swap3A_464 = tpu.vector_load %arg8[%swap3A_462, %swap3A_463] {strides = array<i32>} : memref<128x128xf32, #tpu.memory_space<vmem>>, vector<1x16xf32>,
      %swap3A_465 = vector.shape_cast %swap3A_464 : vector<1x16xf32> to vector<16xf32>
      %swap3A_466 = vector.shape_cast %scan3A_446#1 : vector<16xf32> to vector<1x16xf32>
      tpu.vector_store %arg8[%swap3A_462, %swap3A_463], %swap3A_466 {strides = array<i32>} : memref<128x128xf32, #tpu.memory_space<vmem>>, vector<1x16xf32>,
      %swap3A_467 = arith.index_cast %add3A_451 : i32 to index
      %swap3A_468 = arith.constant 80 : index
      %swap3A_469 = tpu.vector_load %arg8[%swap3A_467, %swap3A_468] {strides = array<i32>} : memref<128x128xf32, #tpu.memory_space<vmem>>, vector<1x16xf32>,
      %swap3A_470 = vector.shape_cast %swap3A_469 : vector<1x16xf32> to vector<16xf32>
      %swap3A_471 = vector.shape_cast %scan3A_446#5 : vector<16xf32> to vector<1x16xf32>
      tpu.vector_store %arg8[%swap3A_467, %swap3A_468], %swap3A_471 {strides = array<i32>} : memref<128x128xf32, #tpu.memory_space<vmem>>, vector<1x16xf32>,
      %swap3A_472 = arith.index_cast %add3A_451 : i32 to index
      %swap3A_473 = arith.constant 32 : index
      %swap3A_474 = tpu.vector_load %arg8[%swap3A_472, %swap3A_473] {strides = array<i32>} : memref<128x128xf32, #tpu.memory_space<vmem>>, vector<1x16xf32>,
      %swap3A_475 = vector.shape_cast %swap3A_474 : vector<1x16xf32> to vector<16xf32>
      %swap3A_476 = vector.shape_cast %scan3A_446#2 : vector<16xf32> to vector<1x16xf32>
      tpu.vector_store %arg8[%swap3A_472, %swap3A_473], %swap3A_476 {strides = array<i32>} : memref<128x128xf32, #tpu.memory_space<vmem>>, vector<1x16xf32>,
      %swap3A_477 = arith.index_cast %add3A_451 : i32 to index
      %swap3A_478 = arith.constant 96 : index
      %swap3A_479 = tpu.vector_load %arg8[%swap3A_477, %swap3A_478] {strides = array<i32>} : memref<128x128xf32, #tpu.memory_space<vmem>>, vector<1x16xf32>,
      %swap3A_480 = vector.shape_cast %swap3A_479 : vector<1x16xf32> to vector<16xf32>
      %swap3A_481 = vector.shape_cast %scan3A_446#6 : vector<16xf32> to vector<1x16xf32>
      tpu.vector_store %arg8[%swap3A_477, %swap3A_478], %swap3A_481 {strides = array<i32>} : memref<128x128xf32, #tpu.memory_space<vmem>>, vector<1x16xf32>,
      %swap3A_482 = arith.index_cast %add3A_451 : i32 to index
      %swap3A_483 = arith.constant 48 : index
      %swap3A_484 = tpu.vector_load %arg8[%swap3A_482, %swap3A_483] {strides = array<i32>} : memref<128x128xf32, #tpu.memory_space<vmem>>, vector<1x16xf32>,
      %swap3A_485 = vector.shape_cast %swap3A_484 : vector<1x16xf32> to vector<16xf32>
      %swap3A_486 = vector.shape_cast %scan3A_446#3 : vector<16xf32> to vector<1x16xf32>
      tpu.vector_store %arg8[%swap3A_482, %swap3A_483], %swap3A_486 {strides = array<i32>} : memref<128x128xf32, #tpu.memory_space<vmem>>, vector<1x16xf32>,
      %swap3A_487 = arith.index_cast %add3A_451 : i32 to index
      %swap3A_488 = arith.constant 112 : index
      %swap3A_489 = tpu.vector_load %arg8[%swap3A_487, %swap3A_488] {strides = array<i32>} : memref<128x128xf32, #tpu.memory_space<vmem>>, vector<1x16xf32>,
      %swap3A_490 = vector.shape_cast %swap3A_489 : vector<1x16xf32> to vector<16xf32>
      %swap3A_491 = vector.shape_cast %scan3A_446#7 : vector<16xf32> to vector<1x16xf32>
      tpu.vector_store %arg8[%swap3A_487, %swap3A_488], %swap3A_491 {strides = array<i32>} : memref<128x128xf32, #tpu.memory_space<vmem>>, vector<1x16xf32>,
      %broadcast_in_dim3A_492 = arith.constant 0.000000e+00 : f32
      %broadcast_in_dim3A_493 = vector.broadcast %broadcast_in_dim3A_492 : f32 to vector<16xf32>
      %broadcast_in_dim3A_494 = arith.constant 0.000000e+00 : f32
      %broadcast_in_dim3A_495 = vector.broadcast %broadcast_in_dim3A_494 : f32 to vector<16xf32>
      %broadcast_in_dim3A_496 = arith.constant 0.000000e+00 : f32
      %broadcast_in_dim3A_497 = vector.broadcast %broadcast_in_dim3A_496 : f32 to vector<16xf32>
      %broadcast_in_dim3A_498 = arith.constant 0.000000e+00 : f32
      %broadcast_in_dim3A_499 = vector.broadcast %broadcast_in_dim3A_498 : f32 to vector<16xf32>
      %broadcast_in_dim3A_500 = arith.constant 0.000000e+00 : f32
      %broadcast_in_dim3A_501 = vector.broadcast %broadcast_in_dim3A_500 : f32 to vector<16xf32>
      %broadcast_in_dim3A_502 = arith.constant 0.000000e+00 : f32
      %broadcast_in_dim3A_503 = vector.broadcast %broadcast_in_dim3A_502 : f32 to vector<16xf32>
      %broadcast_in_dim3A_504 = arith.constant 0.000000e+00 : f32
      %broadcast_in_dim3A_505 = vector.broadcast %broadcast_in_dim3A_504 : f32 to vector<16xf32>
      %broadcast_in_dim3A_506 = arith.constant 0.000000e+00 : f32
      %broadcast_in_dim3A_507 = vector.broadcast %broadcast_in_dim3A_506 : f32 to vector<16xf32>
      %scan3A_508 = arith.constant 0 : i32
      %scan3A_509 = arith.constant 50 : i32
      %scan3A_510 = arith.addi %scan3A_508, %scan3A_509 : i32
      %scan3A_511 = arith.constant 1 : i32
      %scan3A_512:8 = scf.for %scan3A_726 = %scan3A_508 to %scan3A_510 step %scan3A_511 iter_args(%scan3A_727 = %broadcast_in_dim3A_493, %scan3A_728 = %broadcast_in_dim3A_495, %scan3A_729 = %broadcast_in_dim3A_497, %scan3A_730 = %broadcast_in_dim3A_499, %scan3A_731 = %broadcast_in_dim3A_501, %scan3A_732 = %broadcast_in_dim3A_503, %scan3A_733 = %broadcast_in_dim3A_505, %scan3A_734 = %broadcast_in_dim3A_507) -> (vector<16xf32>, vector<16xf32>, vector<16xf32>, vector<16xf32>, vector<16xf32>, vector<16xf32>, vector<16xf32>, vector<16xf32>)  : i32 {
        %add3A_735 = arith.constant 50 : i32
        %add3A_736 = arith.addi %add3A_735, %scan3A_726 : i32
        %broadcast_in_dim3A_737 = arith.constant 16 : i32
        %broadcast_in_dim3A_738 = vector.broadcast %broadcast_in_dim3A_737 : i32 to vector<16xi32>
        %broadcast_in_dim3A_739 = arith.constant -65536 : i32
        %broadcast_in_dim3A_740 = vector.broadcast %broadcast_in_dim3A_739 : i32 to vector<16xi32>
        %get3A = arith.index_cast %add3A_736 : i32 to index
        %get3A_741 = arith.constant 0 : index
        %get3A_742 = tpu.vector_load %arg12[%get3A, %get3A_741] {strides = array<i32>} : memref<104x64xi32, #tpu.memory_space<vmem>>, vector<1x16xi32>,
        %get3A_743 = vector.shape_cast %get3A_742 : vector<1x16xi32> to vector<16xi32>
        %get3A_744 = arith.index_cast %add3A_736 : i32 to index
        %get3A_745 = arith.constant 16 : index
        %get3A_746 = tpu.vector_load %arg12[%get3A_744, %get3A_745] {strides = array<i32>} : memref<104x64xi32, #tpu.memory_space<vmem>>, vector<1x16xi32>,
        %get3A_747 = vector.shape_cast %get3A_746 : vector<1x16xi32> to vector<16xi32>
        %get3A_748 = arith.index_cast %add3A_736 : i32 to index
        %get3A_749 = arith.constant 32 : index
        %get3A_750 = tpu.vector_load %arg12[%get3A_748, %get3A_749] {strides = array<i32>} : memref<104x64xi32, #tpu.memory_space<vmem>>, vector<1x16xi32>,
        %get3A_751 = vector.shape_cast %get3A_750 : vector<1x16xi32> to vector<16xi32>
        %get3A_752 = arith.index_cast %add3A_736 : i32 to index
        %get3A_753 = arith.constant 48 : index
        %get3A_754 = tpu.vector_load %arg12[%get3A_752, %get3A_753] {strides = array<i32>} : memref<104x64xi32, #tpu.memory_space<vmem>>, vector<1x16xi32>,
        %get3A_755 = vector.shape_cast %get3A_754 : vector<1x16xi32> to vector<16xi32>
        %shift_left3A = arith.shli %get3A_743, %broadcast_in_dim3A_738 : vector<16xi32>
        %bitcast_convert_type3A = tpu.bitcast %shift_left3A : vector<16xi32> -> vector<16xf32>
        %add3A_756 = arith.addf %scan3A_727, %bitcast_convert_type3A : vector<16xf32>
        %shift_left3A_757 = arith.shli %get3A_747, %broadcast_in_dim3A_738 : vector<16xi32>
        %bitcast_convert_type3A_758 = tpu.bitcast %shift_left3A_757 : vector<16xi32> -> vector<16xf32>
        %add3A_759 = arith.addf %scan3A_728, %bitcast_convert_type3A_758 : vector<16xf32>
        %shift_left3A_760 = arith.shli %get3A_751, %broadcast_in_dim3A_738 : vector<16xi32>
        %bitcast_convert_type3A_761 = tpu.bitcast %shift_left3A_760 : vector<16xi32> -> vector<16xf32>
        %add3A_762 = arith.addf %scan3A_729, %bitcast_convert_type3A_761 : vector<16xf32>
        %shift_left3A_763 = arith.shli %get3A_755, %broadcast_in_dim3A_738 : vector<16xi32>
        %bitcast_convert_type3A_764 = tpu.bitcast %shift_left3A_763 : vector<16xi32> -> vector<16xf32>
        %add3A_765 = arith.addf %scan3A_730, %bitcast_convert_type3A_764 : vector<16xf32>
        %and3A = arith.andi %get3A_743, %broadcast_in_dim3A_740 : vector<16xi32>
        %bitcast_convert_type3A_766 = tpu.bitcast %and3A : vector<16xi32> -> vector<16xf32>
        %add3A_767 = arith.addf %scan3A_731, %bitcast_convert_type3A_766 : vector<16xf32>
        %and3A_768 = arith.andi %get3A_747, %broadcast_in_dim3A_740 : vector<16xi32>
        %bitcast_convert_type3A_769 = tpu.bitcast %and3A_768 : vector<16xi32> -> vector<16xf32>
        %add3A_770 = arith.addf %scan3A_732, %bitcast_convert_type3A_769 : vector<16xf32>
        %and3A_771 = arith.andi %get3A_751, %broadcast_in_dim3A_740 : vector<16xi32>
        %bitcast_convert_type3A_772 = tpu.bitcast %and3A_771 : vector<16xi32> -> vector<16xf32>
        %add3A_773 = arith.addf %scan3A_733, %bitcast_convert_type3A_772 : vector<16xf32>
        %and3A_774 = arith.andi %get3A_755, %broadcast_in_dim3A_740 : vector<16xi32>
        %bitcast_convert_type3A_775 = tpu.bitcast %and3A_774 : vector<16xi32> -> vector<16xf32>
        %add3A_776 = arith.addf %scan3A_734, %bitcast_convert_type3A_775 : vector<16xf32>
        scf.yield %add3A_756, %add3A_759, %add3A_762, %add3A_765, %add3A_767, %add3A_770, %add3A_773, %add3A_776 : vector<16xf32>, vector<16xf32>, vector<16xf32>, vector<16xf32>, vector<16xf32>, vector<16xf32>, vector<16xf32>, vector<16xf32>
      }
      %scan3A_513 = arith.constant 50 : i32
      %mul3A_514 = arith.constant 2 : i32
      %mul3A_515 = arith.muli %add3A_419, %mul3A_514 : i32
      %add3A_516 = arith.constant 1 : i32
      %add3A_517 = arith.addi %mul3A_515, %add3A_516 : i32
      %swap3A_518 = arith.index_cast %add3A_517 : i32 to index
      %swap3A_519 = arith.constant 0 : index
      %swap3A_520 = tpu.vector_load %arg8[%swap3A_518, %swap3A_519] {strides = array<i32>} : memref<128x128xf32, #tpu.memory_space<vmem>>, vector<1x16xf32>,
      %swap3A_521 = vector.shape_cast %swap3A_520 : vector<1x16xf32> to vector<16xf32>
      %swap3A_522 = vector.shape_cast %scan3A_512#0 : vector<16xf32> to vector<1x16xf32>
      tpu.vector_store %arg8[%swap3A_518, %swap3A_519], %swap3A_522 {strides = array<i32>} : memref<128x128xf32, #tpu.memory_space<vmem>>, vector<1x16xf32>,
      %swap3A_523 = arith.index_cast %add3A_517 : i32 to index
      %swap3A_524 = arith.constant 64 : index
      %swap3A_525 = tpu.vector_load %arg8[%swap3A_523, %swap3A_524] {strides = array<i32>} : memref<128x128xf32, #tpu.memory_space<vmem>>, vector<1x16xf32>,
      %swap3A_526 = vector.shape_cast %swap3A_525 : vector<1x16xf32> to vector<16xf32>
      %swap3A_527 = vector.shape_cast %scan3A_512#4 : vector<16xf32> to vector<1x16xf32>
      tpu.vector_store %arg8[%swap3A_523, %swap3A_524], %swap3A_527 {strides = array<i32>} : memref<128x128xf32, #tpu.memory_space<vmem>>, vector<1x16xf32>,
      %swap3A_528 = arith.index_cast %add3A_517 : i32 to index
      %swap3A_529 = arith.constant 16 : index
      %swap3A_530 = tpu.vector_load %arg8[%swap3A_528, %swap3A_529] {strides = array<i32>} : memref<128x128xf32, #tpu.memory_space<vmem>>, vector<1x16xf32>,
      %swap3A_531 = vector.shape_cast %swap3A_530 : vector<1x16xf32> to vector<16xf32>
      %swap3A_532 = vector.shape_cast %scan3A_512#1 : vector<16xf32> to vector<1x16xf32>
      tpu.vector_store %arg8[%swap3A_528, %swap3A_529], %swap3A_532 {strides = array<i32>} : memref<128x128xf32, #tpu.memory_space<vmem>>, vector<1x16xf32>,
      %swap3A_533 = arith.index_cast %add3A_517 : i32 to index
      %swap3A_534 = arith.constant 80 : index
      %swap3A_535 = tpu.vector_load %arg8[%swap3A_533, %swap3A_534] {strides = array<i32>} : memref<128x128xf32, #tpu.memory_space<vmem>>, vector<1x16xf32>,
      %swap3A_536 = vector.shape_cast %swap3A_535 : vector<1x16xf32> to vector<16xf32>
      %swap3A_537 = vector.shape_cast %scan3A_512#5 : vector<16xf32> to vector<1x16xf32>
      tpu.vector_store %arg8[%swap3A_533, %swap3A_534], %swap3A_537 {strides = array<i32>} : memref<128x128xf32, #tpu.memory_space<vmem>>, vector<1x16xf32>,
      %swap3A_538 = arith.index_cast %add3A_517 : i32 to index
      %swap3A_539 = arith.constant 32 : index
      %swap3A_540 = tpu.vector_load %arg8[%swap3A_538, %swap3A_539] {strides = array<i32>} : memref<128x128xf32, #tpu.memory_space<vmem>>, vector<1x16xf32>,
      %swap3A_541 = vector.shape_cast %swap3A_540 : vector<1x16xf32> to vector<16xf32>
      %swap3A_542 = vector.shape_cast %scan3A_512#2 : vector<16xf32> to vector<1x16xf32>
      tpu.vector_store %arg8[%swap3A_538, %swap3A_539], %swap3A_542 {strides = array<i32>} : memref<128x128xf32, #tpu.memory_space<vmem>>, vector<1x16xf32>,
      %swap3A_543 = arith.index_cast %add3A_517 : i32 to index
      %swap3A_544 = arith.constant 96 : index
      %swap3A_545 = tpu.vector_load %arg8[%swap3A_543, %swap3A_544] {strides = array<i32>} : memref<128x128xf32, #tpu.memory_space<vmem>>, vector<1x16xf32>,
      %swap3A_546 = vector.shape_cast %swap3A_545 : vector<1x16xf32> to vector<16xf32>
      %swap3A_547 = vector.shape_cast %scan3A_512#6 : vector<16xf32> to vector<1x16xf32>
      tpu.vector_store %arg8[%swap3A_543, %swap3A_544], %swap3A_547 {strides = array<i32>} : memref<128x128xf32, #tpu.memory_space<vmem>>, vector<1x16xf32>,
      %swap3A_548 = arith.index_cast %add3A_517 : i32 to index
      %swap3A_549 = arith.constant 48 : index
      %swap3A_550 = tpu.vector_load %arg8[%swap3A_548, %swap3A_549] {strides = array<i32>} : memref<128x128xf32, #tpu.memory_space<vmem>>, vector<1x16xf32>,
      %swap3A_551 = vector.shape_cast %swap3A_550 : vector<1x16xf32> to vector<16xf32>
      %swap3A_552 = vector.shape_cast %scan3A_512#3 : vector<16xf32> to vector<1x16xf32>
      tpu.vector_store %arg8[%swap3A_548, %swap3A_549], %swap3A_552 {strides = array<i32>} : memref<128x128xf32, #tpu.memory_space<vmem>>, vector<1x16xf32>,
      %swap3A_553 = arith.index_cast %add3A_517 : i32 to index
      %swap3A_554 = arith.constant 112 : index
      %swap3A_555 = tpu.vector_load %arg8[%swap3A_553, %swap3A_554] {strides = array<i32>} : memref<128x128xf32, #tpu.memory_space<vmem>>, vector<1x16xf32>,
      %swap3A_556 = vector.shape_cast %swap3A_555 : vector<1x16xf32> to vector<16xf32>
      %swap3A_557 = vector.shape_cast %scan3A_512#7 : vector<16xf32> to vector<1x16xf32>
      tpu.vector_store %arg8[%swap3A_553, %swap3A_554], %swap3A_557 {strides = array<i32>} : memref<128x128xf32, #tpu.memory_space<vmem>>, vector<1x16xf32>,
      %add3A_558 = arith.constant 4 : i32
      %add3A_559 = arith.addi %add3A_419, %add3A_558 : i32
      %lt3A_560 = arith.constant 64 : i32
      %lt3A_561 = arith.cmpi slt, %add3A_559, %lt3A_560 : i32
      %convert_element_type3A_562 = arith.extui %lt3A_561 : i1 to i32
      %cond3A_563 = arith.constant 0 : i32
      %cond3A_564 = arith.cmpi ne, %convert_element_type3A_562, %cond3A_563 : i32
      scf.if %cond3A_564 {
        %add3A_726 = arith.constant 4 : i32
        %add3A_727 = arith.addi %add3A_419, %add3A_726 : i32
        %mul3A_728 = arith.constant 104 : i32
        %mul3A_729 = arith.muli %add3A_727, %mul3A_728 : i32
        %dma_wait3A_730 = tpu.memref_slice %arg7[%mul3A_729] : memref<6656xi32, #tpu.memory_space<vmem>> -> memref<104xi32, #tpu.memory_space<vmem>>
        %dma_wait3A_731 = tpu.memref_slice %arg6[%mul3A_729] : memref<6656xi32, #tpu.memory_space<vmem>> -> memref<104xi32, #tpu.memory_space<vmem>>
        %dma_wait3A_732 = arith.constant 0 : i32
        %dma_wait3A_733 = tpu.memref_slice %arg3[%dma_wait3A_732] : memref<100096xi32, #tpu.memory_space<hbm>> -> memref<100096xi32, #tpu.memory_space<hbm>>
        tpu.wait_indirect_dma semaphore(%arg21 : memref<!tpu.dma_semaphore, #tpu.memory_space<semaphore_mem>>) src(%dma_wait3A_733 : memref<100096xi32, #tpu.memory_space<hbm>>) dst(%dma_wait3A_730 : memref<104xi32, #tpu.memory_space<vmem>>)
        %add3A_734 = arith.constant 4 : i32
        %add3A_735 = arith.addi %add3A_419, %add3A_734 : i32
        %mul3A_736 = arith.constant 104 : i32
        %mul3A_737 = arith.muli %add3A_735, %mul3A_736 : i32
        %dma_start3A_738 = tpu.memref_slice %arg7[%mul3A_737] : memref<6656xi32, #tpu.memory_space<vmem>> -> memref<104xi32, #tpu.memory_space<vmem>>
        %dma_start3A_739 = arith.constant 0 : i32
        %dma_start3A_740 = arith.constant 0 : i32
        %dma_start3A_741 = tpu.memref_slice %arg9[%dma_start3A_739, %dma_start3A_740] : memref<8448x64xi32, #tpu.memory_space<vmem_shared>> -> memref<8448x64xi32, #tpu.memory_space<vmem_shared>>
        tpu.enqueue_indirect_dma source(%dma_start3A_741 : memref<8448x64xi32, #tpu.memory_space<vmem_shared>>) target(%arg12 : memref<104x64xi32, #tpu.memory_space<vmem>>) offsets(%dma_start3A_738 : memref<104xi32, #tpu.memory_space<vmem>>) semaphore(%arg17 : memref<!tpu.dma_semaphore, #tpu.memory_space<semaphore_mem>>)
      } else {
      }
      %add3A_565 = arith.constant 8 : i32
      %add3A_566 = arith.addi %add3A_419, %add3A_565 : i32
      %lt3A_567 = arith.constant 64 : i32
      %lt3A_568 = arith.cmpi slt, %add3A_566, %lt3A_567 : i32
      %convert_element_type3A_569 = arith.extui %lt3A_568 : i1 to i32
      %cond3A_570 = arith.constant 0 : i32
      %cond3A_571 = arith.cmpi ne, %convert_element_type3A_569, %cond3A_570 : i32
      scf.if %cond3A_571 {
        %add3A_726 = arith.constant 8 : i32
        %add3A_727 = arith.addi %add3A_419, %add3A_726 : i32
        %mul3A_728 = arith.constant 104 : i32
        %mul3A_729 = arith.muli %add3A_727, %mul3A_728 : i32
        %dma_start3A_730 = tpu.memref_slice %arg7[%mul3A_729] : memref<6656xi32, #tpu.memory_space<vmem>> -> memref<104xi32, #tpu.memory_space<vmem>>
        %dma_start3A_731 = tpu.memref_slice %arg6[%mul3A_729] : memref<6656xi32, #tpu.memory_space<vmem>> -> memref<104xi32, #tpu.memory_space<vmem>>
        %dma_start3A_732 = arith.constant 0 : i32
        %dma_start3A_733 = tpu.memref_slice %arg3[%dma_start3A_732] : memref<100096xi32, #tpu.memory_space<hbm>> -> memref<100096xi32, #tpu.memory_space<hbm>>
        tpu.enqueue_indirect_dma source(%dma_start3A_733 : memref<100096xi32, #tpu.memory_space<hbm>>) target(%dma_start3A_730 : memref<104xi32, #tpu.memory_space<vmem>>) offsets(%dma_start3A_731 : memref<104xi32, #tpu.memory_space<vmem>>) semaphore(%arg21 : memref<!tpu.dma_semaphore, #tpu.memory_space<semaphore_mem>>)
      } else {
      }
      %add3A_572 = arith.constant 3 : i32
      %add3A_573 = arith.addi %mul3A_114, %add3A_572 : i32
      %mul3A_574 = arith.constant 104 : i32
      %mul3A_575 = arith.muli %add3A_573, %mul3A_574 : i32
      %dma_wait3A_576 = tpu.memref_slice %arg7[%mul3A_575] : memref<6656xi32, #tpu.memory_space<vmem>> -> memref<104xi32, #tpu.memory_space<vmem>>
      %dma_wait3A_577 = arith.constant 0 : i32
      %dma_wait3A_578 = arith.constant 0 : i32
      %dma_wait3A_579 = tpu.memref_slice %arg9[%dma_wait3A_577, %dma_wait3A_578] : memref<8448x64xi32, #tpu.memory_space<vmem_shared>> -> memref<8448x64xi32, #tpu.memory_space<vmem_shared>>
      tpu.wait_indirect_dma semaphore(%arg18 : memref<!tpu.dma_semaphore, #tpu.memory_space<semaphore_mem>>) src(%dma_wait3A_579 : memref<8448x64xi32, #tpu.memory_space<vmem_shared>>) dst(%arg13 : memref<104x64xi32, #tpu.memory_space<vmem>>)
      %broadcast_in_dim3A_580 = arith.constant 0.000000e+00 : f32
      %broadcast_in_dim3A_581 = vector.broadcast %broadcast_in_dim3A_580 : f32 to vector<16xf32>
      %broadcast_in_dim3A_582 = arith.constant 0.000000e+00 : f32
      %broadcast_in_dim3A_583 = vector.broadcast %broadcast_in_dim3A_582 : f32 to vector<16xf32>
      %broadcast_in_dim3A_584 = arith.constant 0.000000e+00 : f32
      %broadcast_in_dim3A_585 = vector.broadcast %broadcast_in_dim3A_584 : f32 to vector<16xf32>
      %broadcast_in_dim3A_586 = arith.constant 0.000000e+00 : f32
      %broadcast_in_dim3A_587 = vector.broadcast %broadcast_in_dim3A_586 : f32 to vector<16xf32>
      %broadcast_in_dim3A_588 = arith.constant 0.000000e+00 : f32
      %broadcast_in_dim3A_589 = vector.broadcast %broadcast_in_dim3A_588 : f32 to vector<16xf32>
      %broadcast_in_dim3A_590 = arith.constant 0.000000e+00 : f32
      %broadcast_in_dim3A_591 = vector.broadcast %broadcast_in_dim3A_590 : f32 to vector<16xf32>
      %broadcast_in_dim3A_592 = arith.constant 0.000000e+00 : f32
      %broadcast_in_dim3A_593 = vector.broadcast %broadcast_in_dim3A_592 : f32 to vector<16xf32>
      %broadcast_in_dim3A_594 = arith.constant 0.000000e+00 : f32
      %broadcast_in_dim3A_595 = vector.broadcast %broadcast_in_dim3A_594 : f32 to vector<16xf32>
      %scan3A_596 = arith.constant 0 : i32
      %scan3A_597 = arith.constant 50 : i32
      %scan3A_598 = arith.addi %scan3A_596, %scan3A_597 : i32
      %scan3A_599 = arith.constant 1 : i32
      %scan3A_600:8 = scf.for %scan3A_726 = %scan3A_596 to %scan3A_598 step %scan3A_599 iter_args(%scan3A_727 = %broadcast_in_dim3A_581, %scan3A_728 = %broadcast_in_dim3A_583, %scan3A_729 = %broadcast_in_dim3A_585, %scan3A_730 = %broadcast_in_dim3A_587, %scan3A_731 = %broadcast_in_dim3A_589, %scan3A_732 = %broadcast_in_dim3A_591, %scan3A_733 = %broadcast_in_dim3A_593, %scan3A_734 = %broadcast_in_dim3A_595) -> (vector<16xf32>, vector<16xf32>, vector<16xf32>, vector<16xf32>, vector<16xf32>, vector<16xf32>, vector<16xf32>, vector<16xf32>)  : i32 {
        %add3A_735 = arith.constant 0 : i32
        %add3A_736 = arith.addi %add3A_735, %scan3A_726 : i32
        %broadcast_in_dim3A_737 = arith.constant 16 : i32
        %broadcast_in_dim3A_738 = vector.broadcast %broadcast_in_dim3A_737 : i32 to vector<16xi32>
        %broadcast_in_dim3A_739 = arith.constant -65536 : i32
        %broadcast_in_dim3A_740 = vector.broadcast %broadcast_in_dim3A_739 : i32 to vector<16xi32>
        %get3A = arith.index_cast %add3A_736 : i32 to index
        %get3A_741 = arith.constant 0 : index
        %get3A_742 = tpu.vector_load %arg13[%get3A, %get3A_741] {strides = array<i32>} : memref<104x64xi32, #tpu.memory_space<vmem>>, vector<1x16xi32>,
        %get3A_743 = vector.shape_cast %get3A_742 : vector<1x16xi32> to vector<16xi32>
        %get3A_744 = arith.index_cast %add3A_736 : i32 to index
        %get3A_745 = arith.constant 16 : index
        %get3A_746 = tpu.vector_load %arg13[%get3A_744, %get3A_745] {strides = array<i32>} : memref<104x64xi32, #tpu.memory_space<vmem>>, vector<1x16xi32>,
        %get3A_747 = vector.shape_cast %get3A_746 : vector<1x16xi32> to vector<16xi32>
        %get3A_748 = arith.index_cast %add3A_736 : i32 to index
        %get3A_749 = arith.constant 32 : index
        %get3A_750 = tpu.vector_load %arg13[%get3A_748, %get3A_749] {strides = array<i32>} : memref<104x64xi32, #tpu.memory_space<vmem>>, vector<1x16xi32>,
        %get3A_751 = vector.shape_cast %get3A_750 : vector<1x16xi32> to vector<16xi32>
        %get3A_752 = arith.index_cast %add3A_736 : i32 to index
        %get3A_753 = arith.constant 48 : index
        %get3A_754 = tpu.vector_load %arg13[%get3A_752, %get3A_753] {strides = array<i32>} : memref<104x64xi32, #tpu.memory_space<vmem>>, vector<1x16xi32>,
        %get3A_755 = vector.shape_cast %get3A_754 : vector<1x16xi32> to vector<16xi32>
        %shift_left3A = arith.shli %get3A_743, %broadcast_in_dim3A_738 : vector<16xi32>
        %bitcast_convert_type3A = tpu.bitcast %shift_left3A : vector<16xi32> -> vector<16xf32>
        %add3A_756 = arith.addf %scan3A_727, %bitcast_convert_type3A : vector<16xf32>
        %shift_left3A_757 = arith.shli %get3A_747, %broadcast_in_dim3A_738 : vector<16xi32>
        %bitcast_convert_type3A_758 = tpu.bitcast %shift_left3A_757 : vector<16xi32> -> vector<16xf32>
        %add3A_759 = arith.addf %scan3A_728, %bitcast_convert_type3A_758 : vector<16xf32>
        %shift_left3A_760 = arith.shli %get3A_751, %broadcast_in_dim3A_738 : vector<16xi32>
        %bitcast_convert_type3A_761 = tpu.bitcast %shift_left3A_760 : vector<16xi32> -> vector<16xf32>
        %add3A_762 = arith.addf %scan3A_729, %bitcast_convert_type3A_761 : vector<16xf32>
        %shift_left3A_763 = arith.shli %get3A_755, %broadcast_in_dim3A_738 : vector<16xi32>
        %bitcast_convert_type3A_764 = tpu.bitcast %shift_left3A_763 : vector<16xi32> -> vector<16xf32>
        %add3A_765 = arith.addf %scan3A_730, %bitcast_convert_type3A_764 : vector<16xf32>
        %and3A = arith.andi %get3A_743, %broadcast_in_dim3A_740 : vector<16xi32>
        %bitcast_convert_type3A_766 = tpu.bitcast %and3A : vector<16xi32> -> vector<16xf32>
        %add3A_767 = arith.addf %scan3A_731, %bitcast_convert_type3A_766 : vector<16xf32>
        %and3A_768 = arith.andi %get3A_747, %broadcast_in_dim3A_740 : vector<16xi32>
        %bitcast_convert_type3A_769 = tpu.bitcast %and3A_768 : vector<16xi32> -> vector<16xf32>
        %add3A_770 = arith.addf %scan3A_732, %bitcast_convert_type3A_769 : vector<16xf32>
        %and3A_771 = arith.andi %get3A_751, %broadcast_in_dim3A_740 : vector<16xi32>
        %bitcast_convert_type3A_772 = tpu.bitcast %and3A_771 : vector<16xi32> -> vector<16xf32>
        %add3A_773 = arith.addf %scan3A_733, %bitcast_convert_type3A_772 : vector<16xf32>
        %and3A_774 = arith.andi %get3A_755, %broadcast_in_dim3A_740 : vector<16xi32>
        %bitcast_convert_type3A_775 = tpu.bitcast %and3A_774 : vector<16xi32> -> vector<16xf32>
        %add3A_776 = arith.addf %scan3A_734, %bitcast_convert_type3A_775 : vector<16xf32>
        scf.yield %add3A_756, %add3A_759, %add3A_762, %add3A_765, %add3A_767, %add3A_770, %add3A_773, %add3A_776 : vector<16xf32>, vector<16xf32>, vector<16xf32>, vector<16xf32>, vector<16xf32>, vector<16xf32>, vector<16xf32>, vector<16xf32>
      }
      %scan3A_601 = arith.constant 50 : i32
      %mul3A_602 = arith.constant 2 : i32
      %mul3A_603 = arith.muli %add3A_573, %mul3A_602 : i32
      %add3A_604 = arith.constant 0 : i32
      %add3A_605 = arith.addi %mul3A_603, %add3A_604 : i32
      %swap3A_606 = arith.index_cast %add3A_605 : i32 to index
      %swap3A_607 = arith.constant 0 : index
      %swap3A_608 = tpu.vector_load %arg8[%swap3A_606, %swap3A_607] {strides = array<i32>} : memref<128x128xf32, #tpu.memory_space<vmem>>, vector<1x16xf32>,
      %swap3A_609 = vector.shape_cast %swap3A_608 : vector<1x16xf32> to vector<16xf32>
      %swap3A_610 = vector.shape_cast %scan3A_600#0 : vector<16xf32> to vector<1x16xf32>
      tpu.vector_store %arg8[%swap3A_606, %swap3A_607], %swap3A_610 {strides = array<i32>} : memref<128x128xf32, #tpu.memory_space<vmem>>, vector<1x16xf32>,
      %swap3A_611 = arith.index_cast %add3A_605 : i32 to index
      %swap3A_612 = arith.constant 64 : index
      %swap3A_613 = tpu.vector_load %arg8[%swap3A_611, %swap3A_612] {strides = array<i32>} : memref<128x128xf32, #tpu.memory_space<vmem>>, vector<1x16xf32>,
      %swap3A_614 = vector.shape_cast %swap3A_613 : vector<1x16xf32> to vector<16xf32>
      %swap3A_615 = vector.shape_cast %scan3A_600#4 : vector<16xf32> to vector<1x16xf32>
      tpu.vector_store %arg8[%swap3A_611, %swap3A_612], %swap3A_615 {strides = array<i32>} : memref<128x128xf32, #tpu.memory_space<vmem>>, vector<1x16xf32>,
      %swap3A_616 = arith.index_cast %add3A_605 : i32 to index
      %swap3A_617 = arith.constant 16 : index
      %swap3A_618 = tpu.vector_load %arg8[%swap3A_616, %swap3A_617] {strides = array<i32>} : memref<128x128xf32, #tpu.memory_space<vmem>>, vector<1x16xf32>,
      %swap3A_619 = vector.shape_cast %swap3A_618 : vector<1x16xf32> to vector<16xf32>
      %swap3A_620 = vector.shape_cast %scan3A_600#1 : vector<16xf32> to vector<1x16xf32>
      tpu.vector_store %arg8[%swap3A_616, %swap3A_617], %swap3A_620 {strides = array<i32>} : memref<128x128xf32, #tpu.memory_space<vmem>>, vector<1x16xf32>,
      %swap3A_621 = arith.index_cast %add3A_605 : i32 to index
      %swap3A_622 = arith.constant 80 : index
      %swap3A_623 = tpu.vector_load %arg8[%swap3A_621, %swap3A_622] {strides = array<i32>} : memref<128x128xf32, #tpu.memory_space<vmem>>, vector<1x16xf32>,
      %swap3A_624 = vector.shape_cast %swap3A_623 : vector<1x16xf32> to vector<16xf32>
      %swap3A_625 = vector.shape_cast %scan3A_600#5 : vector<16xf32> to vector<1x16xf32>
      tpu.vector_store %arg8[%swap3A_621, %swap3A_622], %swap3A_625 {strides = array<i32>} : memref<128x128xf32, #tpu.memory_space<vmem>>, vector<1x16xf32>,
      %swap3A_626 = arith.index_cast %add3A_605 : i32 to index
      %swap3A_627 = arith.constant 32 : index
      %swap3A_628 = tpu.vector_load %arg8[%swap3A_626, %swap3A_627] {strides = array<i32>} : memref<128x128xf32, #tpu.memory_space<vmem>>, vector<1x16xf32>,
      %swap3A_629 = vector.shape_cast %swap3A_628 : vector<1x16xf32> to vector<16xf32>
      %swap3A_630 = vector.shape_cast %scan3A_600#2 : vector<16xf32> to vector<1x16xf32>
      tpu.vector_store %arg8[%swap3A_626, %swap3A_627], %swap3A_630 {strides = array<i32>} : memref<128x128xf32, #tpu.memory_space<vmem>>, vector<1x16xf32>,
      %swap3A_631 = arith.index_cast %add3A_605 : i32 to index
      %swap3A_632 = arith.constant 96 : index
      %swap3A_633 = tpu.vector_load %arg8[%swap3A_631, %swap3A_632] {strides = array<i32>} : memref<128x128xf32, #tpu.memory_space<vmem>>, vector<1x16xf32>,
      %swap3A_634 = vector.shape_cast %swap3A_633 : vector<1x16xf32> to vector<16xf32>
      %swap3A_635 = vector.shape_cast %scan3A_600#6 : vector<16xf32> to vector<1x16xf32>
      tpu.vector_store %arg8[%swap3A_631, %swap3A_632], %swap3A_635 {strides = array<i32>} : memref<128x128xf32, #tpu.memory_space<vmem>>, vector<1x16xf32>,
      %swap3A_636 = arith.index_cast %add3A_605 : i32 to index
      %swap3A_637 = arith.constant 48 : index
      %swap3A_638 = tpu.vector_load %arg8[%swap3A_636, %swap3A_637] {strides = array<i32>} : memref<128x128xf32, #tpu.memory_space<vmem>>, vector<1x16xf32>,
      %swap3A_639 = vector.shape_cast %swap3A_638 : vector<1x16xf32> to vector<16xf32>
      %swap3A_640 = vector.shape_cast %scan3A_600#3 : vector<16xf32> to vector<1x16xf32>
      tpu.vector_store %arg8[%swap3A_636, %swap3A_637], %swap3A_640 {strides = array<i32>} : memref<128x128xf32, #tpu.memory_space<vmem>>, vector<1x16xf32>,
      %swap3A_641 = arith.index_cast %add3A_605 : i32 to index
      %swap3A_642 = arith.constant 112 : index
      %swap3A_643 = tpu.vector_load %arg8[%swap3A_641, %swap3A_642] {strides = array<i32>} : memref<128x128xf32, #tpu.memory_space<vmem>>, vector<1x16xf32>,
      %swap3A_644 = vector.shape_cast %swap3A_643 : vector<1x16xf32> to vector<16xf32>
      %swap3A_645 = vector.shape_cast %scan3A_600#7 : vector<16xf32> to vector<1x16xf32>
      tpu.vector_store %arg8[%swap3A_641, %swap3A_642], %swap3A_645 {strides = array<i32>} : memref<128x128xf32, #tpu.memory_space<vmem>>, vector<1x16xf32>,
      %broadcast_in_dim3A_646 = arith.constant 0.000000e+00 : f32
      %broadcast_in_dim3A_647 = vector.broadcast %broadcast_in_dim3A_646 : f32 to vector<16xf32>
      %broadcast_in_dim3A_648 = arith.constant 0.000000e+00 : f32
      %broadcast_in_dim3A_649 = vector.broadcast %broadcast_in_dim3A_648 : f32 to vector<16xf32>
      %broadcast_in_dim3A_650 = arith.constant 0.000000e+00 : f32
      %broadcast_in_dim3A_651 = vector.broadcast %broadcast_in_dim3A_650 : f32 to vector<16xf32>
      %broadcast_in_dim3A_652 = arith.constant 0.000000e+00 : f32
      %broadcast_in_dim3A_653 = vector.broadcast %broadcast_in_dim3A_652 : f32 to vector<16xf32>
      %broadcast_in_dim3A_654 = arith.constant 0.000000e+00 : f32
      %broadcast_in_dim3A_655 = vector.broadcast %broadcast_in_dim3A_654 : f32 to vector<16xf32>
      %broadcast_in_dim3A_656 = arith.constant 0.000000e+00 : f32
      %broadcast_in_dim3A_657 = vector.broadcast %broadcast_in_dim3A_656 : f32 to vector<16xf32>
      %broadcast_in_dim3A_658 = arith.constant 0.000000e+00 : f32
      %broadcast_in_dim3A_659 = vector.broadcast %broadcast_in_dim3A_658 : f32 to vector<16xf32>
      %broadcast_in_dim3A_660 = arith.constant 0.000000e+00 : f32
      %broadcast_in_dim3A_661 = vector.broadcast %broadcast_in_dim3A_660 : f32 to vector<16xf32>
      %scan3A_662 = arith.constant 0 : i32
      %scan3A_663 = arith.constant 50 : i32
      %scan3A_664 = arith.addi %scan3A_662, %scan3A_663 : i32
      %scan3A_665 = arith.constant 1 : i32
      %scan3A_666:8 = scf.for %scan3A_726 = %scan3A_662 to %scan3A_664 step %scan3A_665 iter_args(%scan3A_727 = %broadcast_in_dim3A_647, %scan3A_728 = %broadcast_in_dim3A_649, %scan3A_729 = %broadcast_in_dim3A_651, %scan3A_730 = %broadcast_in_dim3A_653, %scan3A_731 = %broadcast_in_dim3A_655, %scan3A_732 = %broadcast_in_dim3A_657, %scan3A_733 = %broadcast_in_dim3A_659, %scan3A_734 = %broadcast_in_dim3A_661) -> (vector<16xf32>, vector<16xf32>, vector<16xf32>, vector<16xf32>, vector<16xf32>, vector<16xf32>, vector<16xf32>, vector<16xf32>)  : i32 {
        %add3A_735 = arith.constant 50 : i32
        %add3A_736 = arith.addi %add3A_735, %scan3A_726 : i32
        %broadcast_in_dim3A_737 = arith.constant 16 : i32
        %broadcast_in_dim3A_738 = vector.broadcast %broadcast_in_dim3A_737 : i32 to vector<16xi32>
        %broadcast_in_dim3A_739 = arith.constant -65536 : i32
        %broadcast_in_dim3A_740 = vector.broadcast %broadcast_in_dim3A_739 : i32 to vector<16xi32>
        %get3A = arith.index_cast %add3A_736 : i32 to index
        %get3A_741 = arith.constant 0 : index
        %get3A_742 = tpu.vector_load %arg13[%get3A, %get3A_741] {strides = array<i32>} : memref<104x64xi32, #tpu.memory_space<vmem>>, vector<1x16xi32>,
        %get3A_743 = vector.shape_cast %get3A_742 : vector<1x16xi32> to vector<16xi32>
        %get3A_744 = arith.index_cast %add3A_736 : i32 to index
        %get3A_745 = arith.constant 16 : index
        %get3A_746 = tpu.vector_load %arg13[%get3A_744, %get3A_745] {strides = array<i32>} : memref<104x64xi32, #tpu.memory_space<vmem>>, vector<1x16xi32>,
        %get3A_747 = vector.shape_cast %get3A_746 : vector<1x16xi32> to vector<16xi32>
        %get3A_748 = arith.index_cast %add3A_736 : i32 to index
        %get3A_749 = arith.constant 32 : index
        %get3A_750 = tpu.vector_load %arg13[%get3A_748, %get3A_749] {strides = array<i32>} : memref<104x64xi32, #tpu.memory_space<vmem>>, vector<1x16xi32>,
        %get3A_751 = vector.shape_cast %get3A_750 : vector<1x16xi32> to vector<16xi32>
        %get3A_752 = arith.index_cast %add3A_736 : i32 to index
        %get3A_753 = arith.constant 48 : index
        %get3A_754 = tpu.vector_load %arg13[%get3A_752, %get3A_753] {strides = array<i32>} : memref<104x64xi32, #tpu.memory_space<vmem>>, vector<1x16xi32>,
        %get3A_755 = vector.shape_cast %get3A_754 : vector<1x16xi32> to vector<16xi32>
        %shift_left3A = arith.shli %get3A_743, %broadcast_in_dim3A_738 : vector<16xi32>
        %bitcast_convert_type3A = tpu.bitcast %shift_left3A : vector<16xi32> -> vector<16xf32>
        %add3A_756 = arith.addf %scan3A_727, %bitcast_convert_type3A : vector<16xf32>
        %shift_left3A_757 = arith.shli %get3A_747, %broadcast_in_dim3A_738 : vector<16xi32>
        %bitcast_convert_type3A_758 = tpu.bitcast %shift_left3A_757 : vector<16xi32> -> vector<16xf32>
        %add3A_759 = arith.addf %scan3A_728, %bitcast_convert_type3A_758 : vector<16xf32>
        %shift_left3A_760 = arith.shli %get3A_751, %broadcast_in_dim3A_738 : vector<16xi32>
        %bitcast_convert_type3A_761 = tpu.bitcast %shift_left3A_760 : vector<16xi32> -> vector<16xf32>
        %add3A_762 = arith.addf %scan3A_729, %bitcast_convert_type3A_761 : vector<16xf32>
        %shift_left3A_763 = arith.shli %get3A_755, %broadcast_in_dim3A_738 : vector<16xi32>
        %bitcast_convert_type3A_764 = tpu.bitcast %shift_left3A_763 : vector<16xi32> -> vector<16xf32>
        %add3A_765 = arith.addf %scan3A_730, %bitcast_convert_type3A_764 : vector<16xf32>
        %and3A = arith.andi %get3A_743, %broadcast_in_dim3A_740 : vector<16xi32>
        %bitcast_convert_type3A_766 = tpu.bitcast %and3A : vector<16xi32> -> vector<16xf32>
        %add3A_767 = arith.addf %scan3A_731, %bitcast_convert_type3A_766 : vector<16xf32>
        %and3A_768 = arith.andi %get3A_747, %broadcast_in_dim3A_740 : vector<16xi32>
        %bitcast_convert_type3A_769 = tpu.bitcast %and3A_768 : vector<16xi32> -> vector<16xf32>
        %add3A_770 = arith.addf %scan3A_732, %bitcast_convert_type3A_769 : vector<16xf32>
        %and3A_771 = arith.andi %get3A_751, %broadcast_in_dim3A_740 : vector<16xi32>
        %bitcast_convert_type3A_772 = tpu.bitcast %and3A_771 : vector<16xi32> -> vector<16xf32>
        %add3A_773 = arith.addf %scan3A_733, %bitcast_convert_type3A_772 : vector<16xf32>
        %and3A_774 = arith.andi %get3A_755, %broadcast_in_dim3A_740 : vector<16xi32>
        %bitcast_convert_type3A_775 = tpu.bitcast %and3A_774 : vector<16xi32> -> vector<16xf32>
        %add3A_776 = arith.addf %scan3A_734, %bitcast_convert_type3A_775 : vector<16xf32>
        scf.yield %add3A_756, %add3A_759, %add3A_762, %add3A_765, %add3A_767, %add3A_770, %add3A_773, %add3A_776 : vector<16xf32>, vector<16xf32>, vector<16xf32>, vector<16xf32>, vector<16xf32>, vector<16xf32>, vector<16xf32>, vector<16xf32>
      }
      %scan3A_667 = arith.constant 50 : i32
      %mul3A_668 = arith.constant 2 : i32
      %mul3A_669 = arith.muli %add3A_573, %mul3A_668 : i32
      %add3A_670 = arith.constant 1 : i32
      %add3A_671 = arith.addi %mul3A_669, %add3A_670 : i32
      %swap3A_672 = arith.index_cast %add3A_671 : i32 to index
      %swap3A_673 = arith.constant 0 : index
      %swap3A_674 = tpu.vector_load %arg8[%swap3A_672, %swap3A_673] {strides = array<i32>} : memref<128x128xf32, #tpu.memory_space<vmem>>, vector<1x16xf32>,
      %swap3A_675 = vector.shape_cast %swap3A_674 : vector<1x16xf32> to vector<16xf32>
      %swap3A_676 = vector.shape_cast %scan3A_666#0 : vector<16xf32> to vector<1x16xf32>
      tpu.vector_store %arg8[%swap3A_672, %swap3A_673], %swap3A_676 {strides = array<i32>} : memref<128x128xf32, #tpu.memory_space<vmem>>, vector<1x16xf32>,
      %swap3A_677 = arith.index_cast %add3A_671 : i32 to index
      %swap3A_678 = arith.constant 64 : index
      %swap3A_679 = tpu.vector_load %arg8[%swap3A_677, %swap3A_678] {strides = array<i32>} : memref<128x128xf32, #tpu.memory_space<vmem>>, vector<1x16xf32>,
      %swap3A_680 = vector.shape_cast %swap3A_679 : vector<1x16xf32> to vector<16xf32>
      %swap3A_681 = vector.shape_cast %scan3A_666#4 : vector<16xf32> to vector<1x16xf32>
      tpu.vector_store %arg8[%swap3A_677, %swap3A_678], %swap3A_681 {strides = array<i32>} : memref<128x128xf32, #tpu.memory_space<vmem>>, vector<1x16xf32>,
      %swap3A_682 = arith.index_cast %add3A_671 : i32 to index
      %swap3A_683 = arith.constant 16 : index
      %swap3A_684 = tpu.vector_load %arg8[%swap3A_682, %swap3A_683] {strides = array<i32>} : memref<128x128xf32, #tpu.memory_space<vmem>>, vector<1x16xf32>,
      %swap3A_685 = vector.shape_cast %swap3A_684 : vector<1x16xf32> to vector<16xf32>
      %swap3A_686 = vector.shape_cast %scan3A_666#1 : vector<16xf32> to vector<1x16xf32>
      tpu.vector_store %arg8[%swap3A_682, %swap3A_683], %swap3A_686 {strides = array<i32>} : memref<128x128xf32, #tpu.memory_space<vmem>>, vector<1x16xf32>,
      %swap3A_687 = arith.index_cast %add3A_671 : i32 to index
      %swap3A_688 = arith.constant 80 : index
      %swap3A_689 = tpu.vector_load %arg8[%swap3A_687, %swap3A_688] {strides = array<i32>} : memref<128x128xf32, #tpu.memory_space<vmem>>, vector<1x16xf32>,
      %swap3A_690 = vector.shape_cast %swap3A_689 : vector<1x16xf32> to vector<16xf32>
      %swap3A_691 = vector.shape_cast %scan3A_666#5 : vector<16xf32> to vector<1x16xf32>
      tpu.vector_store %arg8[%swap3A_687, %swap3A_688], %swap3A_691 {strides = array<i32>} : memref<128x128xf32, #tpu.memory_space<vmem>>, vector<1x16xf32>,
      %swap3A_692 = arith.index_cast %add3A_671 : i32 to index
      %swap3A_693 = arith.constant 32 : index
      %swap3A_694 = tpu.vector_load %arg8[%swap3A_692, %swap3A_693] {strides = array<i32>} : memref<128x128xf32, #tpu.memory_space<vmem>>, vector<1x16xf32>,
      %swap3A_695 = vector.shape_cast %swap3A_694 : vector<1x16xf32> to vector<16xf32>
      %swap3A_696 = vector.shape_cast %scan3A_666#2 : vector<16xf32> to vector<1x16xf32>
      tpu.vector_store %arg8[%swap3A_692, %swap3A_693], %swap3A_696 {strides = array<i32>} : memref<128x128xf32, #tpu.memory_space<vmem>>, vector<1x16xf32>,
      %swap3A_697 = arith.index_cast %add3A_671 : i32 to index
      %swap3A_698 = arith.constant 96 : index
      %swap3A_699 = tpu.vector_load %arg8[%swap3A_697, %swap3A_698] {strides = array<i32>} : memref<128x128xf32, #tpu.memory_space<vmem>>, vector<1x16xf32>,
      %swap3A_700 = vector.shape_cast %swap3A_699 : vector<1x16xf32> to vector<16xf32>
      %swap3A_701 = vector.shape_cast %scan3A_666#6 : vector<16xf32> to vector<1x16xf32>
      tpu.vector_store %arg8[%swap3A_697, %swap3A_698], %swap3A_701 {strides = array<i32>} : memref<128x128xf32, #tpu.memory_space<vmem>>, vector<1x16xf32>,
      %swap3A_702 = arith.index_cast %add3A_671 : i32 to index
      %swap3A_703 = arith.constant 48 : index
      %swap3A_704 = tpu.vector_load %arg8[%swap3A_702, %swap3A_703] {strides = array<i32>} : memref<128x128xf32, #tpu.memory_space<vmem>>, vector<1x16xf32>,
      %swap3A_705 = vector.shape_cast %swap3A_704 : vector<1x16xf32> to vector<16xf32>
      %swap3A_706 = vector.shape_cast %scan3A_666#3 : vector<16xf32> to vector<1x16xf32>
      tpu.vector_store %arg8[%swap3A_702, %swap3A_703], %swap3A_706 {strides = array<i32>} : memref<128x128xf32, #tpu.memory_space<vmem>>, vector<1x16xf32>,
      %swap3A_707 = arith.index_cast %add3A_671 : i32 to index
      %swap3A_708 = arith.constant 112 : index
      %swap3A_709 = tpu.vector_load %arg8[%swap3A_707, %swap3A_708] {strides = array<i32>} : memref<128x128xf32, #tpu.memory_space<vmem>>, vector<1x16xf32>,
      %swap3A_710 = vector.shape_cast %swap3A_709 : vector<1x16xf32> to vector<16xf32>
      %swap3A_711 = vector.shape_cast %scan3A_666#7 : vector<16xf32> to vector<1x16xf32>
      tpu.vector_store %arg8[%swap3A_707, %swap3A_708], %swap3A_711 {strides = array<i32>} : memref<128x128xf32, #tpu.memory_space<vmem>>, vector<1x16xf32>,
      %add3A_712 = arith.constant 4 : i32
      %add3A_713 = arith.addi %add3A_573, %add3A_712 : i32
      %lt3A_714 = arith.constant 64 : i32
      %lt3A_715 = arith.cmpi slt, %add3A_713, %lt3A_714 : i32
      %convert_element_type3A_716 = arith.extui %lt3A_715 : i1 to i32
      %cond3A_717 = arith.constant 0 : i32
      %cond3A_718 = arith.cmpi ne, %convert_element_type3A_716, %cond3A_717 : i32
      scf.if %cond3A_718 {
        %add3A_726 = arith.constant 4 : i32
        %add3A_727 = arith.addi %add3A_573, %add3A_726 : i32
        %mul3A_728 = arith.constant 104 : i32
        %mul3A_729 = arith.muli %add3A_727, %mul3A_728 : i32
        %dma_wait3A_730 = tpu.memref_slice %arg7[%mul3A_729] : memref<6656xi32, #tpu.memory_space<vmem>> -> memref<104xi32, #tpu.memory_space<vmem>>
        %dma_wait3A_731 = tpu.memref_slice %arg6[%mul3A_729] : memref<6656xi32, #tpu.memory_space<vmem>> -> memref<104xi32, #tpu.memory_space<vmem>>
        %dma_wait3A_732 = arith.constant 0 : i32
        %dma_wait3A_733 = tpu.memref_slice %arg3[%dma_wait3A_732] : memref<100096xi32, #tpu.memory_space<hbm>> -> memref<100096xi32, #tpu.memory_space<hbm>>
        tpu.wait_indirect_dma semaphore(%arg22 : memref<!tpu.dma_semaphore, #tpu.memory_space<semaphore_mem>>) src(%dma_wait3A_733 : memref<100096xi32, #tpu.memory_space<hbm>>) dst(%dma_wait3A_730 : memref<104xi32, #tpu.memory_space<vmem>>)
        %add3A_734 = arith.constant 4 : i32
        %add3A_735 = arith.addi %add3A_573, %add3A_734 : i32
        %mul3A_736 = arith.constant 104 : i32
        %mul3A_737 = arith.muli %add3A_735, %mul3A_736 : i32
        %dma_start3A_738 = tpu.memref_slice %arg7[%mul3A_737] : memref<6656xi32, #tpu.memory_space<vmem>> -> memref<104xi32, #tpu.memory_space<vmem>>
        %dma_start3A_739 = arith.constant 0 : i32
        %dma_start3A_740 = arith.constant 0 : i32
        %dma_start3A_741 = tpu.memref_slice %arg9[%dma_start3A_739, %dma_start3A_740] : memref<8448x64xi32, #tpu.memory_space<vmem_shared>> -> memref<8448x64xi32, #tpu.memory_space<vmem_shared>>
        tpu.enqueue_indirect_dma source(%dma_start3A_741 : memref<8448x64xi32, #tpu.memory_space<vmem_shared>>) target(%arg13 : memref<104x64xi32, #tpu.memory_space<vmem>>) offsets(%dma_start3A_738 : memref<104xi32, #tpu.memory_space<vmem>>) semaphore(%arg18 : memref<!tpu.dma_semaphore, #tpu.memory_space<semaphore_mem>>)
      } else {
      }
      %add3A_719 = arith.constant 8 : i32
      %add3A_720 = arith.addi %add3A_573, %add3A_719 : i32
      %lt3A_721 = arith.constant 64 : i32
      %lt3A_722 = arith.cmpi slt, %add3A_720, %lt3A_721 : i32
      %convert_element_type3A_723 = arith.extui %lt3A_722 : i1 to i32
      %cond3A_724 = arith.constant 0 : i32
      %cond3A_725 = arith.cmpi ne, %convert_element_type3A_723, %cond3A_724 : i32
      scf.if %cond3A_725 {
        %add3A_726 = arith.constant 8 : i32
        %add3A_727 = arith.addi %add3A_573, %add3A_726 : i32
        %mul3A_728 = arith.constant 104 : i32
        %mul3A_729 = arith.muli %add3A_727, %mul3A_728 : i32
        %dma_start3A_730 = tpu.memref_slice %arg7[%mul3A_729] : memref<6656xi32, #tpu.memory_space<vmem>> -> memref<104xi32, #tpu.memory_space<vmem>>
        %dma_start3A_731 = tpu.memref_slice %arg6[%mul3A_729] : memref<6656xi32, #tpu.memory_space<vmem>> -> memref<104xi32, #tpu.memory_space<vmem>>
        %dma_start3A_732 = arith.constant 0 : i32
        %dma_start3A_733 = tpu.memref_slice %arg3[%dma_start3A_732] : memref<100096xi32, #tpu.memory_space<hbm>> -> memref<100096xi32, #tpu.memory_space<hbm>>
        tpu.enqueue_indirect_dma source(%dma_start3A_733 : memref<100096xi32, #tpu.memory_space<hbm>>) target(%dma_start3A_730 : memref<104xi32, #tpu.memory_space<vmem>>) offsets(%dma_start3A_731 : memref<104xi32, #tpu.memory_space<vmem>>) semaphore(%arg22 : memref<!tpu.dma_semaphore, #tpu.memory_space<semaphore_mem>>)
      } else {
      }
    }
    %scan3A_109 = arith.constant 16 : i32
    %mul3A_110 = arith.constant 128 : i32
    %mul3A_111 = arith.muli %add3A, %mul3A_110 : i32
    "tpu.region"() ({
      %run_scoped3A = tpu.sem_alloc : memref<!tpu.dma_semaphore, #tpu.memory_space<semaphore_mem>>
      %dma_start3A_112 = arith.constant 0 : i32
      %dma_start3A_113 = tpu.memref_slice %arg5[%mul3A_111, %dma_start3A_112] : memref<4096x128xf32, #tpu.memory_space<hbm>> -> memref<128x128xf32, #tpu.memory_space<hbm>>
      %dma_start3A_114 = arith.constant 0 : i32
      %dma_start3A_115 = tpu.memref_slice %arg5[%mul3A_111, %dma_start3A_114] : memref<4096x128xf32, #tpu.memory_space<hbm>> -> memref<128x128xf32, #tpu.memory_space<hbm>>
      tpu.enqueue_dma source(%arg8 : memref<128x128xf32, #tpu.memory_space<vmem>>) target(%dma_start3A_115 : memref<128x128xf32, #tpu.memory_space<hbm>>) target_semaphore(%run_scoped3A : memref<!tpu.dma_semaphore, #tpu.memory_space<semaphore_mem>>)
      %dma_wait3A_116 = arith.constant 0 : i32
      %dma_wait3A_117 = tpu.memref_slice %arg5[%mul3A_111, %dma_wait3A_116] : memref<4096x128xf32, #tpu.memory_space<hbm>> -> memref<128x128xf32, #tpu.memory_space<hbm>>
      %dma_wait3A_118 = arith.constant 0 : i32
      %dma_wait3A_119 = tpu.memref_slice %arg5[%mul3A_111, %dma_wait3A_118] : memref<4096x128xf32, #tpu.memory_space<hbm>> -> memref<128x128xf32, #tpu.memory_space<hbm>>
      tpu.wait_dma2 semaphore(%run_scoped3A : memref<!tpu.dma_semaphore, #tpu.memory_space<semaphore_mem>>) src(%arg8 : memref<128x128xf32, #tpu.memory_space<vmem>>) dst(%dma_wait3A_119 : memref<128x128xf32, #tpu.memory_space<hbm>>)
      tpu.yield
    }) : () -> ()
    return
  }
}

</mosaic_0001>

<sc_bundles>
// kernel: kernel.3.cloned.1.call-start
scs
__scs_entry_jumppad:
0x0: {  	(pc) =	sbr.rel $0x88, $3  }
0x1: {  	(tag) =	ssettag $0x0;
	lr =	simm.s32 $0x1  }
0x2: {  	[smem:$0x3F9E] =	sst lr;
	_ =	strace $0xD0000000  }
0x3: {  	_ = 	snop  }
0x4: {  	_ = 	snop  }
0x5: {  	_ = 	snop  }
0x6: {  	_ = 	snop  }
0x7: {  	_ = 	snop  }
__scs_overlays_trampoline_lowered:
0x8: {  	[smem:$0x3FAD] =	sst s0  }
0x9: {  	[smem:$0x3FAE] =	sst s1  }
0xa: {  	[smem:$0x3FAF] =	sst s2  }
0xb: {  	[smem:$0x3FB0] =	sst s3  }
0xc: {  	[smem:$0x3FB1] =	sst s4  }
0xd: {  	[smem:$0x3FB2] =	sst s5  }
0xe: {  	[smem:$0x3FB3] =	sst s6  }
0xf: {  	[smem:$0x3FB4] =	sst s7  }
0x10: {  	[smem:$0x3FB5] =	sst s8  }
0x11: {  	[smem:$0x3FB6] =	sst s9;
	s0 =	simm.s32 @!p0 $0x0  }
0x12: {  	s1 =	sld [smem:$0x3F9C];
	s0 =	simm.s32 @p0 $0x1  }
0x13: {  	[smem:$0x3FB7] =	sst s0;
	s0 =	simm.s32 @!p1 $0x0  }
0x14: {  	s2 =	sld [smem:$0x3F9B];
	s0 =	simm.s32 @p1 $0x1  }
0x15: {  	[smem:$0x3FB8] =	sst s0;
	s0 =	simm.s32 @!p2 $0x0  }
0x16: {  	s3 =	sld [smem:$0x3FDB];
	s0 =	simm.s32 @p2 $0x1  }
0x17: {  	s4 =	simm.s32 $0x1BF5;
	[smem:$0x3FBA] =	sst s0  }
0x18: {  	s0 =	sld [smem:$0x3F9D];
	_ =	swait.ge [sflag:s4], $0x0  }
0x19: {  	s7 =	sld [smem:$0x3F9E]  }
0x1a: {  	s8 =	sadd.s32 $0xFFFFE003, lr  }
0x1b: {  	s9 =	sadd.s32 $0xFFFFFEF7, lr;
	s5 =	simm.s32 $0xFFFFFFFF;
	p2 =	slt.u32 s8, $0xFFFFF086  }
0x1c: {  	p1 =	slt.u32 s9, $0xF7A;
	s5 =	simm.s32 @!p2 $0x0  }
0x1d: {  	s5 =	simm.s32 @p1 $0x1;
	p0 =	seq.s32 s7, s2  }
0x1e: {  	s7 =	smul.u32 @!p0 $0xF7A, s2;
	p2 =	seq.s32 @!p0 s5, $0x0  }
0x1f: {  	s9 =	smul.u32 $0xF7A, s1;
	s8 =	simm.s32 @!p0 $0x1BF5;
	p2 =	por !p2, p0  }
0x20: {  	[sflag:s8] =	ssyncset.s32 @!p0 $0xFFFFF086;
	s6 =	sadd.s32 @!p0 s3, s7;
	s7 =	simm.s32 @!p0 $0x108  }
0x21: {  	s3 =	sadd.s32 s3, s9;
	s6 =	sadd.s32 @!p0 $0x88, s6;
	s7 =	simm.s32 @p2 $0x1082  }
0x22: {  	[simem:s7], [sflag:s8] =	dma.local @!p0 [hbm:s6], $0xF7A  }
0x23: {  	s9 =	sor.u32 $0xD0000000, s2;
	s6 =	simm.s32 $0x108;
	_ =	swait.ge @!p0 [sflag:s8], $0x0  }
0x24: {  	s3 =	sadd.s32 $0x88, s3;
	s6 =	simm.s32 @!p1 $0x1082;
	[sflag:s4] =	ssyncset.s32 $0xFFFFF086  }
0x25: {  	[simem:s6], [sflag:s4] =	dma.local [hbm:s3], $0xF7A  }
0x26: {  	[smem:$0x3F9E] =	sst s1;
	(tag) =	ssettag s2;
	_ =	strace s9  }
0x27: {  	s1 =	sld [smem:$0x3FAE]  }
0x28: {  	s2 =	sld [smem:$0x3FAF]  }
0x29: {  	s4 =	sld [smem:$0x3FB1]  }
0x2a: {  	p0 =	seq.s32 s5, $0x0;
	s5 =	sld [smem:$0x3FB2]  }
0x2b: {  	s6 =	sld [smem:$0x3FB3]  }
0x2c: {  	s7 =	sld [smem:$0x3FB4]  }
0x2d: {  	s3 =	simm.s32 $0x108;
	s8 =	sld [smem:$0x3FB5]  }
0x2e: {  	s3 =	simm.s32 @!p0 $0x1082;
	s9 =	sld [smem:$0x3FB6]  }
0x2f: {  	lr =	sadd.s32 s0, s3;
	s0 =	sld [smem:$0x3FAD]  }
0x30: {  	s3 =	sld [smem:$0x3FB0]  }
0x31: {  	[smem:$0x3FB9] =	sst s10  }
0x32: {  	s10 =	sld [smem:$0x3FB7];
	_ =	sdelay $0x3  }
0x33: {  	p0 =	seq.s32 s10, $0x1;
	s10 =	sld [smem:$0x3FB9];
	_ =	sdelay $0x3  }
0x34: {  	[smem:$0x3FB9] =	sst s10  }
0x35: {  	s10 =	sld [smem:$0x3FB8];
	_ =	sdelay $0x3  }
0x36: {  	p1 =	seq.s32 s10, $0x1;
	s10 =	sld [smem:$0x3FB9];
	_ =	sdelay $0x3  }
0x37: {  	[smem:$0x3FB9] =	sst s10  }
0x38: {  	s10 =	sld [smem:$0x3FBA]  }
0x39: {  	_ = 	snop;
	(pc) =	sbr.ind lr, $3  }
0x3a: {  	_ = 	snop  }
0x3b: {  	_ = 	snop  }
0x3c: {  	p2 =	seq.s32 s10, $0x1;
	s10 =	sld [smem:$0x3FB9]  }
0x3d: {  	_ =	shalt  }
0x3e: {  	_ =	shalt  }
0x3f: {  	_ =	shalt  }
0x40: {  	_ =	shalt  }
0x41: {  	_ =	shalt  }
0x42: {  	_ =	shalt  }
0x43: {  	_ =	shalt  }
0x44: {  	_ =	shalt  }
0x45: {  	_ =	shalt  }
0x46: {  	_ =	shalt  }
0x47: {  	_ =	shalt  }
0x48: {  	_ =	shalt  }
0x49: {  	_ =	shalt  }
0x4a: {  	_ =	shalt  }
0x4b: {  	_ =	shalt  }
0x4c: {  	_ =	shalt  }
0x4d: {  	_ =	shalt  }
0x4e: {  	_ =	shalt  }
0x4f: {  	_ =	shalt  }
0x50: {  	_ =	shalt  }
0x51: {  	_ =	shalt  }
0x52: {  	_ =	shalt  }
0x53: {  	_ =	shalt  }
0x54: {  	_ =	shalt  }
0x55: {  	_ =	shalt  }
0x56: {  	_ =	shalt  }
0x57: {  	_ =	shalt  }
0x58: {  	_ =	shalt  }
0x59: {  	_ =	shalt  }
0x5a: {  	_ =	shalt  }
0x5b: {  	_ =	shalt  }
0x5c: {  	_ =	shalt  }
0x5d: {  	_ =	shalt  }
0x5e: {  	_ =	shalt  }
0x5f: {  	_ =	shalt  }
0x60: {  	_ =	shalt  }
0x61: {  	_ =	shalt  }
0x62: {  	_ =	shalt  }
0x63: {  	_ =	shalt  }
0x64: {  	_ =	shalt  }
0x65: {  	_ =	shalt  }
0x66: {  	_ =	shalt  }
0x67: {  	_ =	shalt  }
0x68: {  	_ =	shalt  }
0x69: {  	_ =	shalt  }
0x6a: {  	_ =	shalt  }
0x6b: {  	_ =	shalt  }
0x6c: {  	_ =	shalt  }
0x6d: {  	_ =	shalt  }
0x6e: {  	_ =	shalt  }
0x6f: {  	_ =	shalt  }
0x70: {  	_ =	shalt  }
0x71: {  	_ =	shalt  }
0x72: {  	_ =	shalt  }
0x73: {  	_ =	shalt  }
0x74: {  	_ =	shalt  }
0x75: {  	_ =	shalt  }
0x76: {  	_ =	shalt  }
0x77: {  	_ =	shalt  }
0x78: {  	_ =	shalt  }
0x79: {  	_ =	shalt  }
0x7a: {  	_ =	shalt  }
0x7b: {  	_ =	shalt  }
0x7c: {  	_ =	shalt  }
0x7d: {  	_ =	shalt  }
0x7e: {  	_ =	shalt  }
0x7f: {  	_ =	shalt  }
0x80: {  	_ =	shalt  }
0x81: {  	_ =	shalt  }
0x82: {  	_ =	shalt  }
0x83: {  	_ =	shalt  }
0x84: {  	_ =	shalt  }
0x85: {  	_ =	shalt  }
0x86: {  	_ =	shalt  }
0x87: {  	_ =	shalt  }
.Lfunc_end0:
.L_simem_size_0:
called_computation_lowered:
.L_overlay_start_0:
0x88: {  	s2 =	sld [smem:$0x3FD9]  }
0x89: {  	s3 =	sld [smem:$0x3FFE];
	_ =	sdelay $0x1  }
0x8a: {  	s1 =	srdreg.scid  }
0x8b: {  	s0 =	sand.u32 $0x1, s1  }
0x8c: {  	s17 =	sshll.u32 s0, $0xA;
	s2 =	sadd.s32 s3, s2  }
0x8d: {  	s2 =	sadd.s32 s2, s17  }
0x8e: {  	[smem:$0x3FC5] =	sst s2  }
0x8f: {  	_ = 	snop  }
0x90: {  	s2 =	sld [smem:$0x3FD0];
	(tm) =	ssettm $0x1  }
0x91: {  	s18 =	sld [smem:$0x3FFB];
	_ =	sdelay $0x3  }
0x92: {  	_ =	strace s18  }
0x93: {  	s3 =	sld [smem:$0x3FFC];
	_ =	sdelay $0x3  }
0x94: {  	_ =	strace s3  }
0x95: {  	s3 =	sld [smem:$0x3FFD];
	_ =	sdelay $0x3  }
0x96: {  	_ =	strace s3  }
0x97: {  	_ =	strace $0x8FFFFFFF  }
0x98: {  	s19 =	sld [smem:$0x3FDB];
	_ =	sdelay $0x1  }
0x99: {  	s4 =	simm.s32 $_scs_section_size  }
0x9a: {  	s5 =	simm.s32 $_size__tile_overlayer_lowered;
	s6 =	simm.s32 $_tile_overlayer_lowered  }
0x9b: {  	s22 =	simm.s32 $0x1BFF;
	s21 =	sshll.u32 s6, $0x1;
	s3 =	sadd.s32 s4, s19  }
0x9c: {  	s7 =	simm.s32 $0x0;
	s20 =	sshll.u32 s5, $0x1;
	s5 =	sadd.s32 s21, s3  }
0x9d: {  	[timem:s7], [sflag:s22] =	dma.local [hbm:s5], s20  }
0x9e: {  	_ =	swait.ge [sflag:s22], s20  }
0x9f: {  	s4 =	ssub.s32 $0x0, s20;
	[sflag:s22] =	ssyncset.done $0x0  }
0xa0: {  	[sflag:s22] =	ssyncadd.s32 s4;
	_ =	sdelay $0x1  }
0xa1: {  	s23 =	simm.s32 $0x1B8B  }
0xa2: {  	_ =	swait.ge [sflag:s23], $0x1  }
0xa3: {  	[sflag:s23] =	ssyncset.done $0x0  }
0xa4: {  	s25 =	simm.s32 $0x1B8E;
	s24 =	sld [smem:$0x3FFE];
	[sflag:s23] =	ssyncadd.s32 $0xFFFFFFFF  }
0xa5: {  	s26 =	simm.s32 $execute0_lowered;
	[smem:$0x3FD2] =	sst s25  }
0xa6: {  	s5 =	sshll.u32 s26, $0x1;
	_ =	strace $0x80000046;
	[dreg:$0x1] =	wrdreg $0xFFFFFFFF  }
0xa7: {  	s28 =	simm.s32 $_size_execute0_lowered;
	s3 =	sadd.s32 s3, s5;
	[dreg:$0x0] =	wrdreg $0x0  }
0xa8: {  	s5 =	sshll.u32 s28, $0x1;
	[dreg:$0x2] =	wrdreg s3  }
0xa9: {  	[dreg:$0x3] =	wrdreg s5  }
0xaa: {  	[dreg:$0x4] =	wrdreg $0xC0  }
0xab: {  	_ =	task [dreg:s7], $0x5FFFF  }
0xac: {  	[dreg:$0x1] =	wrdreg $0xFFFFFFFF  }
0xad: {  	[dreg:$0x0] =	wrdreg $0x60  }
0xae: {  	[dreg:$0x2] =	wrdreg s24  }
0xaf: {  	[dreg:$0x3] =	wrdreg s2  }
0xb0: {  	[dreg:$0x4] =	wrdreg $0x74000  }
0xb1: {  	[dreg:$0x5] =	wrdreg $0x9  }
0xb2: {  	_ =	task.clear_ibuf [dreg:s7], $0x6FFFF;
	_ =	strace $0x90000046  }
0xb3: {  	s29 =	simm.s32 $0x9;
	_ =	strace $0x80000048  }
0xb4: {  	_ =	swait.ge [sflag:s29], $0x1  }
0xb5: {  	[sflag:s29] =	ssyncadd.s32 $0xFFFFFFFF  }
0xb6: {  	_ =	strace $0x90000048  }
0xb7: {  	_ =	sfence  }
0xb8: {  	s30 =	sld [smem:$0x0];
	_ =	sdelay $0x2  }
0xb9: {  	s31 =	sshll.u32 s1, $0xD;
	s1 =	sshrl.u32 s1, $0x2  }
0xba: {  	s3 =	sand.u32 $0x4000, s31;
	s1 =	sadd.s32 s1, s30  }
0xbb: {  	s0 =	sor.u32 s3, s0;
	s1 =	sshll.u32 s1, $0x11  }
0xbc: {  	s0 =	sor.u32 s1, s0  }
0xbd: {  	s0 =	sadd.s32 $0x8F2B, s0  }
0xbe: {  	[sflag:s0] =	ssyncadd.remote.s32 $0x1  }
0xbf: {  	_ =	sfence.sel $0xFFFF  }
0xc0: {  	[dreg:$0x0] =	wrdreg $0xFFFFFFFF;
	(pc) =	sbr.abs _section_cstart, $3  }
0xc1: {  	[dreg:$0x1] =	wrdreg $0xFFFFFFFF  }
0xc2: {  	_ =	task.clear_ibuf [dreg:s7], $0x2FFFF;
	_ =	strace $0x9FFFFFFF  }
0xc3: {  	(tm) =	ssettm $0x7FFFFFFF  }
tec
execute0_lowered:
.L_overlay_start_1:
0x0: {  	(tag) =	ssettag $0x1  }
0x1: {  	s0 =	rddreg [dreg:$0x0]  }
0x2: {  	s1 =	srdreg.scid;
	s8 =	rddreg [dreg:$0x1]  }
0x3: {  	s11 =	stileid.u32;
	s2 =	rddreg [dreg:$0x2]  }
0x4: {  	s12 =	simm.s32 $0x1;
	s13 =	simm.s32 $0x68;
	s15 =	simm.s32 $0x1A68  }
0x5: {  	s17 =	simm.s32 $0x1AD0;
	s19 =	simm.s32 $0x1B38;
	s20 =	simm.s32 $0x6  }
0x6: {  	s24 =	simm.s32 $0x7;
	s29 =	simm.s32 $0x8;
	s22 =	simm.s32 $0x2  }
0x7: {  	s23 =	simm.s32 $0x3;
	s25 =	simm.s32 $0x4;
	s30 =	simm.s32 $0x0  }
0x8: {  	s1 =	sand.u32 $0x1, s1;
	s3 =	sshll.u32 s11, $0x1;
	s5 =	smul.u32 $0x8400, s11  }
0x9: {  	s28 =	sshll.u32 s11, $0x6;
	s11 =	simm.s32 $0xA;
	s6 =	sor.u32 s1, s3  }
0xa: {  	s3 =	simm.s32 $0x0;
	s1 =	ssub.s32 $0x2, s1;
	s4 =	smul.u32 $0x340, s6  }
0xb: {  	[smem:$0x7FF] =	sst s3;
	s9 =	sshrl.u32 s5, $0x3;
	s10 =	sshrl.u32 s1, $0x1  }
0xc: {  	s26 =	sadd.s32 s5, s2;
	s31 =	sshll.u32 s6, $0xB;
	s6 =	sor.u32 $0x1C01, s28  }
0xd: {  	_ =	strace $0x80000047;
	s1 =	ssub.s32 s1, s10;
	s8 =	sadd.s32 s8, s31  }
0xe: {  	s10 =	sshrl.u32 s26, $0x3;
	s26 =	simm.s32 $0x5;
	s7 =	sadd.s32 s4, s0  }
0xf: {  	s4 =	sadd.s32 $0x17800, s0;
	s0 =	sadd.s32 s9, s0;
	s9 =	smax.u32 s1, $0x1  }
0x10: {  	s5 =	sadd.s32 $0x800, s0;
	s7 =	sadd.s32 $0x11000, s7;
	s0 =	simm.s32 $0x9  }
.LBB2_1:
0x11: {  	[spmem:s10], [sflag:s6] =	dma.local [hbm:s5], $0x1080  }
0x12: {  	[tilespmem:s3], [sflag:$0xA] =	stream.linear.gather [hbm4b:s7+s3], $0x1A00, $0x38;
	[tilespmem:$0x16000] =	vst v63  }
0x13: {  	_ =	swait.ge [sflag:s11], $0x1A00  }
0x14: {  	[sflag:s11] =	ssyncset.done $0x0  }
0x15: {  	[sflag:s11] =	ssyncadd.s32 $0xFFFFE600  }
0x16: {  	_ =	swait.ge [sflag:s12], $0x1080  }
0x17: {  	[sflag:s12] =	ssyncset.done $0x0  }
0x18: {  	[sflag:s12] =	ssyncadd.s32 $0xFFFFEF80  }
0x19: {  	s1 =	simm.s32 $0x1A00;
	[bflag:$0x0] =	sbarrier.arrive $0xFFFF  }
0x1a: {  	[tilespmem:s1], [sflag:$0x6] =	stream.indirect.gather [hbm4b:s4+s13], $0x1, s3, s13, $0xb8;
	[tilespmem:$0x16000] =	vst v63  }
0x1b: {  	_ = 	snop  }
0x1c: {  	[tilespmem:s15], [sflag:$0x7] =	stream.indirect.gather [hbm4b:s4+s13], $0x1, s13, s13, $0xb8;
	[tilespmem:$0x16000] =	vst v63  }
0x1d: {  	s14 =	simm.s32 $0xD0  }
0x1e: {  	[tilespmem:s17], [sflag:$0x8] =	stream.indirect.gather [hbm4b:s4+s13], $0x1, s14, s13, $0xb8;
	[tilespmem:$0x16000] =	vst v63  }
0x1f: {  	s16 =	simm.s32 $0x138  }
0x20: {  	[tilespmem:s19], [sflag:$0x9] =	stream.indirect.gather [hbm4b:s4+s13], $0x1, s16, s13, $0xb8;
	[tilespmem:$0x16000] =	vst v63  }
0x21: {  	_ =	swait.ge [sflag:s20], $0x68  }
0x22: {  	[sflag:s20] =	ssyncset.done $0x0  }
0x23: {  	s18 =	simm.s32 $0xF800;
	[sflag:s20] =	ssyncadd.s32 $0xFFFFFF98  }
0x24: {  	[tilespmem:s18], [sflag:$0x2] =	stream.indirect.gather [spmem:s2], $0x40, s1, s13, $0xb8;
	[tilespmem:$0x16000] =	vst v63  }
0x25: {  	s21 =	simm.s32 $0x1A0;
	s28 =	simm.s32 $0x1BA0  }
0x26: {  	[tilespmem:s28], [sflag:$0x6] =	stream.indirect.gather [hbm4b:s4+s13], $0x1, s21, s13, $0xb8;
	[tilespmem:$0x16000] =	vst v63  }
0x27: {  	_ =	swait.ge [sflag:s24], $0x68  }
0x28: {  	[sflag:s24] =	ssyncset.done $0x0  }
0x29: {  	s16 =	simm.s32 $0x11200;
	[sflag:s24] =	ssyncadd.s32 $0xFFFFFF98  }
0x2a: {  	[tilespmem:s16], [sflag:$0x3] =	stream.indirect.gather [spmem:s2], $0x40, s15, s13, $0xb8;
	[tilespmem:$0x16000] =	vst v63  }
0x2b: {  	s18 =	simm.s32 $0x208;
	s21 =	simm.s32 $0x1C08  }
0x2c: {  	[tilespmem:s21], [sflag:$0x7] =	stream.indirect.gather [hbm4b:s4+s13], $0x1, s18, s13, $0xb8;
	[tilespmem:$0x16000] =	vst v63  }
0x2d: {  	_ =	swait.ge [sflag:s29], $0x68  }
0x2e: {  	[sflag:s29] =	ssyncset.done $0x0  }
0x2f: {  	s28 =	simm.s32 $0x12C00;
	[sflag:s29] =	ssyncadd.s32 $0xFFFFFF98  }
0x30: {  	[tilespmem:s28], [sflag:$0x4] =	stream.indirect.gather [spmem:s2], $0x40, s17, s13, $0xb8;
	[tilespmem:$0x16000] =	vst v63  }
0x31: {  	s14 =	simm.s32 $0x270;
	s16 =	simm.s32 $0x1C70  }
0x32: {  	[tilespmem:s16], [sflag:$0x8] =	stream.indirect.gather [hbm4b:s4+s13], $0x1, s14, s13, $0xb8;
	[tilespmem:$0x16000] =	vst v63  }
0x33: {  	_ =	swait.ge [sflag:s0], $0x68  }
0x34: {  	[sflag:s0] =	ssyncset.done $0x0  }
0x35: {  	s18 =	simm.s32 $0x14600;
	[sflag:s0] =	ssyncadd.s32 $0xFFFFFF98  }
0x36: {  	[tilespmem:s18], [sflag:$0x5] =	stream.indirect.gather [spmem:s2], $0x40, s19, s13, $0xb8;
	[tilespmem:$0x16000] =	vst v63  }
0x37: {  	s31 =	simm.s32 $0x0;
	s21 =	simm.s32 $0x2D8;
	s28 =	simm.s32 $0x1CD8  }
0x38: {  	[tilespmem:s28], [sflag:$0x9] =	stream.indirect.gather [hbm4b:s4+s13], $0x1, s21, s13, $0xb8;
	[tilespmem:$0x16000] =	vst v63  }
.LBB2_2:
0x39: {  	_ =	swait.ge [sflag:s22], $0x1A00  }
0x3a: {  	[sflag:s22] =	ssyncset.done $0x0  }
0x3b: {  	s1 =	simm.s32 $0x0;
	[sflag:s22] =	ssyncadd.s32 $0xFFFFE600  }
0x3c: {  	v0 =	vld [tilespmem:s1+$0xF830]  }
0x3d: {  	v3 =	vld [tilespmem:s1+$0xF800]  }
0x3e: {  	v4 =	vld [tilespmem:s1+$0xF810]  }
0x3f: {  	v6 =	vld [tilespmem:s1+$0xF820];
	_ =	sdelay $0x1  }
0x40: {  	v2 =	vimm.f32 $0.0e+00;
	s16 =	simm.s32 $0x40;
	v9 =	vshll.u32 v0, $0x10  }
0x41: {  	v1 =	vld [tilespmem:s16+$0xF830];
	v0 =	vand.u32 $0xFFFF0000, v0;
	v5 =	vshll.u32 v3, $0x10;
	v11 =	vand.u32 $0xFFFF0000, v3  }
0x42: {  	v10 =	vld [tilespmem:s16+$0xF800];
	v3 =	vshll.u32 v4, $0x10;
	v13 =	vand.u32 $0xFFFF0000, v4;
	v0 =	vadd.f32 v0, v2  }
0x43: {  	v8 =	vld [tilespmem:s16+$0xF810];
	v7 =	vadd.f32 v5, v2;
	v5 =	vadd.f32 v3, v2;
	v3 =	vshll.u32 v6, $0x10  }
0x44: {  	v12 =	vand.u32 $0xFFFF0000, v6;
	v6 =	vld [tilespmem:s16+$0xF820];
	v11 =	vadd.f32 v11, v2;
	v4 =	vadd.f32 v3, v2  }
0x45: {  	s1 =	simm.s32 $0x200;
	v3 =	vadd.f32 v9, v2;
	v9 =	vadd.f32 v13, v2  }
.LBB2_3:
0x46: {  	s16 =	sshra.s32 s1, $0x2;
	p0 =	sne.s32 s1, $0x3100;
	s1 =	sadd.s32 $0x100, s1;
	v13 =	vshll.u32 v1, $0x10;
	v14 =	vand.u32 $0xFFFF0000, v1;
	v2 =	vadd.f32 v12, v2  }
.Ltmp0:
0x47: {  	v1 =	vld [tilespmem:s16+$0xF830];
	v12 =	vshll.u32 v10, $0x10;
	v15 =	vand.u32 $0xFFFF0000, v10;
	v0 =	vadd.f32 v14, v0;
	(pc) =	sbr.rel @p0 .LBB2_3-.Ltmp0, $4  }
0x48: {  	v10 =	vld [tilespmem:s16+$0xF800];
	v7 =	vadd.f32 v12, v7;
	v12 =	vshll.u32 v8, $0x10;
	v14 =	vand.u32 $0xFFFF0000, v8  }
0x49: {  	v8 =	vld [tilespmem:s16+$0xF810];
	v5 =	vadd.f32 v12, v5;
	v16 =	vshll.u32 v6, $0x10;
	v12 =	vand.u32 $0xFFFF0000, v6  }
0x4a: {  	v3 =	vadd.f32 v13, v3;
	v6 =	vld [tilespmem:s16+$0xF820];
	v4 =	vadd.f32 v16, v4  }
0x4b: {  	v11 =	vadd.f32 v15, v11;
	v9 =	vadd.f32 v14, v9  }
0x4c: {  	_ = 	snop  }
0x4d: {  	v13 =	vshll.u32 v10, $0x10  }
0x4e: {  	s1 =	sshll.u32 s31, $0xC;
	v10 =	vand.u32 $0xFFFF0000, v10;
	v7 =	vadd.f32 v13, v7  }
0x4f: {  	s1 =	sshra.s32 s1, $0x2;
	v13 =	vshll.u32 v8, $0x10;
	v10 =	vadd.f32 v10, v11  }
0x50: {  	v8 =	vand.u32 $0xFFFF0000, v8;
	v5 =	vadd.f32 v13, v5;
	[tilespmem:s1+$0x3400] =	vst v7  }
0x51: {  	v2 =	vadd.f32 v12, v2;
	v8 =	vadd.f32 v8, v9;
	v7 =	vshll.u32 v6, $0x10;
	[tilespmem:s1+$0x3440] =	vst v10  }
0x52: {  	v6 =	vand.u32 $0xFFFF0000, v6;
	v4 =	vadd.f32 v7, v4;
	[tilespmem:s1+$0x3410] =	vst v5  }
0x53: {  	v5 =	vshll.u32 v1, $0x10;
	v2 =	vadd.f32 v6, v2;
	[tilespmem:s1+$0x3450] =	vst v8  }
0x54: {  	v1 =	vand.u32 $0xFFFF0000, v1;
	v3 =	vadd.f32 v5, v3;
	[tilespmem:s1+$0x3420] =	vst v4  }
0x55: {  	v0 =	vadd.f32 v1, v0;
	[tilespmem:s1+$0x3460] =	vst v2  }
0x56: {  	[tilespmem:s1+$0x3430] =	vst v3  }
0x57: {  	s16 =	simm.s32 $0x0;
	[tilespmem:s1+$0x3470] =	vst v0  }
0x58: {  	v0 =	vld [tilespmem:s16+$0x104B0]  }
0x59: {  	v3 =	vld [tilespmem:s16+$0x10480]  }
0x5a: {  	v4 =	vld [tilespmem:s16+$0x10490]  }
0x5b: {  	v7 =	vld [tilespmem:s16+$0x104A0];
	_ =	sdelay $0x1  }
0x5c: {  	s18 =	simm.s32 $0x40;
	v2 =	vimm.f32 $0.0e+00;
	v10 =	vshll.u32 v0, $0x10  }
0x5d: {  	v1 =	vld [tilespmem:s18+$0x104B0];
	v0 =	vand.u32 $0xFFFF0000, v0;
	v5 =	vshll.u32 v3, $0x10;
	v11 =	vand.u32 $0xFFFF0000, v3  }
0x5e: {  	v8 =	vld [tilespmem:s18+$0x10480];
	v3 =	vshll.u32 v4, $0x10;
	v13 =	vand.u32 $0xFFFF0000, v4;
	v0 =	vadd.f32 v0, v2  }
0x5f: {  	v9 =	vld [tilespmem:s18+$0x10490];
	v6 =	vadd.f32 v5, v2;
	v5 =	vadd.f32 v3, v2;
	v3 =	vshll.u32 v7, $0x10  }
0x60: {  	v12 =	vand.u32 $0xFFFF0000, v7;
	v7 =	vld [tilespmem:s18+$0x104A0];
	v11 =	vadd.f32 v11, v2;
	v4 =	vadd.f32 v3, v2  }
0x61: {  	s16 =	simm.s32 $0x200;
	v3 =	vadd.f32 v10, v2;
	v10 =	vadd.f32 v13, v2  }
.LBB2_5:
0x62: {  	s18 =	sshra.s32 s16, $0x2;
	p0 =	sne.s32 s16, $0x3100;
	s16 =	sadd.s32 $0x100, s16;
	v13 =	vshll.u32 v1, $0x10;
	v14 =	vand.u32 $0xFFFF0000, v1;
	v2 =	vadd.f32 v12, v2  }
.Ltmp1:
0x63: {  	v1 =	vld [tilespmem:s18+$0x104B0];
	v12 =	vshll.u32 v8, $0x10;
	v15 =	vand.u32 $0xFFFF0000, v8;
	v0 =	vadd.f32 v14, v0;
	(pc) =	sbr.rel @p0 .LBB2_5-.Ltmp1, $4  }
0x64: {  	v8 =	vld [tilespmem:s18+$0x10480];
	v6 =	vadd.f32 v12, v6;
	v12 =	vshll.u32 v9, $0x10;
	v14 =	vand.u32 $0xFFFF0000, v9  }
0x65: {  	v9 =	vld [tilespmem:s18+$0x10490];
	v5 =	vadd.f32 v12, v5;
	v16 =	vshll.u32 v7, $0x10;
	v12 =	vand.u32 $0xFFFF0000, v7  }
0x66: {  	v3 =	vadd.f32 v13, v3;
	v7 =	vld [tilespmem:s18+$0x104A0];
	v4 =	vadd.f32 v16, v4  }
0x67: {  	v11 =	vadd.f32 v15, v11;
	v10 =	vadd.f32 v14, v10  }
0x68: {  	_ = 	snop  }
0x69: {  	v13 =	vshll.u32 v8, $0x10  }
0x6a: {  	v8 =	vand.u32 $0xFFFF0000, v8;
	v6 =	vadd.f32 v13, v6  }
0x6b: {  	v13 =	vshll.u32 v9, $0x10;
	v8 =	vadd.f32 v8, v11  }
0x6c: {  	v9 =	vand.u32 $0xFFFF0000, v9;
	v5 =	vadd.f32 v13, v5;
	[tilespmem:s1+$0x3480] =	vst v6  }
0x6d: {  	v2 =	vadd.f32 v12, v2;
	v9 =	vadd.f32 v9, v10;
	v6 =	vshll.u32 v7, $0x10;
	[tilespmem:s1+$0x34C0] =	vst v8  }
0x6e: {  	v7 =	vand.u32 $0xFFFF0000, v7;
	v4 =	vadd.f32 v6, v4;
	[tilespmem:s1+$0x3490] =	vst v5  }
0x6f: {  	v5 =	vshll.u32 v1, $0x10;
	v2 =	vadd.f32 v7, v2;
	[tilespmem:s1+$0x34D0] =	vst v9  }
0x70: {  	v1 =	vand.u32 $0xFFFF0000, v1;
	v3 =	vadd.f32 v5, v3;
	[tilespmem:s1+$0x34A0] =	vst v4  }
0x71: {  	v0 =	vadd.f32 v1, v0;
	[tilespmem:s1+$0x34E0] =	vst v2  }
0x72: {  	p0 =	seq.s32 s31, $0xF;
	[tilespmem:s1+$0x34B0] =	vst v3  }
0x73: {  	s16 =	smul.u32 @!p0 $0x680, s31;
	s18 =	simm.s32 @!p0 $0x6;
	p1 =	sgt.u32 @!p0 s31, $0xD;
	[tilespmem:s1+$0x34F0] =	vst v0  }
0x74: {  	s28 =	simm.s32 @!p0 $0xF800;
	p2 =	por p1, p0;
	_ =	swait.ge @!p0 [sflag:s18], $0x68  }
0x75: {  	s16 =	sshra.s32 @!p0 s16, $0x2;
	s14 =	smul.u32 @!p2 $0x1A0, s31;
	[sflag:s18] =	ssyncset.done @!p0 $0x0  }
0x76: {  	s21 =	sadd.s32 @!p0 $0x1BA0, s16;
	[sflag:s18] =	ssyncadd.s32 @!p0 $0xFFFFFF98;
	s18 =	simm.s32 @!p0 $0x68  }
0x77: {  	[tilespmem:s28], [sflag:$0x2] =	stream.indirect.gather @!p0 [spmem:s2], $0x40, s21, s18, $0xb8;
	[tilespmem:$0x16000] =	vst v63  }
0x78: {  	s18 =	sadd.s32 @!p2 $0x340, s14;
	s14 =	sadd.s32 @!p2 $0x1D40, s14;
	s21 =	simm.s32 @!p2 $0x68  }
0x79: {  	[tilespmem:s14], [sflag:$0x6] =	stream.indirect.gather @!p2 [hbm4b:s4+s21], $0x1, s18, s21, $0xb8;
	[tilespmem:$0x16000] =	vst v63  }
0x7a: {  	_ =	swait.ge [sflag:s23], $0x1A00  }
0x7b: {  	[sflag:s23] =	ssyncset.done $0x0  }
0x7c: {  	s21 =	simm.s32 $0x0;
	[sflag:s23] =	ssyncadd.s32 $0xFFFFE600  }
0x7d: {  	v0 =	vld [tilespmem:s21+$0x11230]  }
0x7e: {  	v3 =	vld [tilespmem:s21+$0x11200]  }
0x7f: {  	v4 =	vld [tilespmem:s21+$0x11210]  }
0x80: {  	v8 =	vld [tilespmem:s21+$0x11220];
	_ =	sdelay $0x1  }
0x81: {  	v2 =	vimm.f32 $0.0e+00;
	s28 =	simm.s32 $0x40;
	v10 =	vshll.u32 v0, $0x10  }
0x82: {  	v1 =	vld [tilespmem:s28+$0x11230];
	v0 =	vand.u32 $0xFFFF0000, v0;
	v5 =	vshll.u32 v3, $0x10;
	v11 =	vand.u32 $0xFFFF0000, v3  }
0x83: {  	v7 =	vld [tilespmem:s28+$0x11200];
	v3 =	vshll.u32 v4, $0x10;
	v13 =	vand.u32 $0xFFFF0000, v4;
	v0 =	vadd.f32 v0, v2  }
0x84: {  	p3 =	por @!p0 $0x0, $0x0;
	p1 =	por !p1, p0;
	p2 =	por @!p2 $0x1, $0x1;
	v9 =	vld [tilespmem:s28+$0x11210];
	v6 =	vadd.f32 v5, v2;
	v5 =	vadd.f32 v3, v2;
	v3 =	vshll.u32 v8, $0x10  }
0x85: {  	p2 =	por @!p1 p3, p3;
	p1 =	por $0x0, $0x0;
	v12 =	vand.u32 $0xFFFF0000, v8;
	v8 =	vld [tilespmem:s28+$0x11220];
	v11 =	vadd.f32 v11, v2;
	v4 =	vadd.f32 v3, v2  }
0x86: {  	s18 =	simm.s32 $0x200;
	p1 =	por @!p0 p2, p2;
	v3 =	vadd.f32 v10, v2;
	v10 =	vadd.f32 v13, v2  }
.LBB2_7:
0x87: {  	s14 =	sshra.s32 s18, $0x2;
	p2 =	sne.s32 s18, $0x3100;
	s18 =	sadd.s32 $0x100, s18;
	v13 =	vshll.u32 v1, $0x10;
	v14 =	vand.u32 $0xFFFF0000, v1;
	v2 =	vadd.f32 v12, v2  }
.Ltmp2:
0x88: {  	v1 =	vld [tilespmem:s14+$0x11230];
	v12 =	vshll.u32 v7, $0x10;
	v15 =	vand.u32 $0xFFFF0000, v7;
	v0 =	vadd.f32 v14, v0;
	(pc) =	sbr.rel @p2 .LBB2_7-.Ltmp2, $4  }
0x89: {  	v7 =	vld [tilespmem:s14+$0x11200];
	v6 =	vadd.f32 v12, v6;
	v12 =	vshll.u32 v9, $0x10;
	v14 =	vand.u32 $0xFFFF0000, v9  }
0x8a: {  	v9 =	vld [tilespmem:s14+$0x11210];
	v5 =	vadd.f32 v12, v5;
	v16 =	vshll.u32 v8, $0x10;
	v12 =	vand.u32 $0xFFFF0000, v8  }
0x8b: {  	v3 =	vadd.f32 v13, v3;
	v8 =	vld [tilespmem:s14+$0x11220];
	v4 =	vadd.f32 v16, v4  }
0x8c: {  	v11 =	vadd.f32 v15, v11;
	v10 =	vadd.f32 v14, v10  }
0x8d: {  	_ = 	snop  }
0x8e: {  	v13 =	vshll.u32 v7, $0x10  }
0x8f: {  	v7 =	vand.u32 $0xFFFF0000, v7;
	v6 =	vadd.f32 v13, v6  }
0x90: {  	v13 =	vshll.u32 v9, $0x10;
	v7 =	vadd.f32 v7, v11  }
0x91: {  	v9 =	vand.u32 $0xFFFF0000, v9;
	v5 =	vadd.f32 v13, v5;
	[tilespmem:s1+$0x3500] =	vst v6  }
0x92: {  	v2 =	vadd.f32 v12, v2;
	v9 =	vadd.f32 v9, v10;
	v6 =	vshll.u32 v8, $0x10;
	[tilespmem:s1+$0x3540] =	vst v7  }
0x93: {  	v7 =	vand.u32 $0xFFFF0000, v8;
	v4 =	vadd.f32 v6, v4;
	[tilespmem:s1+$0x3510] =	vst v5  }
0x94: {  	v5 =	vshll.u32 v1, $0x10;
	v2 =	vadd.f32 v7, v2;
	[tilespmem:s1+$0x3550] =	vst v9  }
0x95: {  	v1 =	vand.u32 $0xFFFF0000, v1;
	v3 =	vadd.f32 v5, v3;
	[tilespmem:s1+$0x3520] =	vst v4  }
0x96: {  	v0 =	vadd.f32 v1, v0;
	[tilespmem:s1+$0x3560] =	vst v2  }
0x97: {  	[tilespmem:s1+$0x3530] =	vst v3  }
0x98: {  	s14 =	simm.s32 $0x0;
	[tilespmem:s1+$0x3570] =	vst v0  }
0x99: {  	v0 =	vld [tilespmem:s14+$0x11EB0]  }
0x9a: {  	v3 =	vld [tilespmem:s14+$0x11E80]  }
0x9b: {  	v4 =	vld [tilespmem:s14+$0x11E90]  }
0x9c: {  	v7 =	vld [tilespmem:s14+$0x11EA0];
	_ =	sdelay $0x1  }
0x9d: {  	s28 =	simm.s32 $0x40;
	v2 =	vimm.f32 $0.0e+00;
	v10 =	vshll.u32 v0, $0x10  }
0x9e: {  	v1 =	vld [tilespmem:s28+$0x11EB0];
	v0 =	vand.u32 $0xFFFF0000, v0;
	v5 =	vshll.u32 v3, $0x10;
	v11 =	vand.u32 $0xFFFF0000, v3  }
0x9f: {  	v8 =	vld [tilespmem:s28+$0x11E80];
	v3 =	vshll.u32 v4, $0x10;
	v13 =	vand.u32 $0xFFFF0000, v4;
	v0 =	vadd.f32 v0, v2  }
0xa0: {  	v9 =	vld [tilespmem:s28+$0x11E90];
	v6 =	vadd.f32 v5, v2;
	v5 =	vadd.f32 v3, v2;
	v3 =	vshll.u32 v7, $0x10  }
0xa1: {  	v12 =	vand.u32 $0xFFFF0000, v7;
	v7 =	vld [tilespmem:s28+$0x11EA0];
	v11 =	vadd.f32 v11, v2;
	v4 =	vadd.f32 v3, v2  }
0xa2: {  	s18 =	simm.s32 $0x200;
	v3 =	vadd.f32 v10, v2;
	v10 =	vadd.f32 v13, v2  }
.LBB2_9:
0xa3: {  	s14 =	sshra.s32 s18, $0x2;
	p2 =	sne.s32 s18, $0x3100;
	s18 =	sadd.s32 $0x100, s18;
	v13 =	vshll.u32 v1, $0x10;
	v14 =	vand.u32 $0xFFFF0000, v1;
	v2 =	vadd.f32 v12, v2  }
.Ltmp3:
0xa4: {  	v1 =	vld [tilespmem:s14+$0x11EB0];
	v12 =	vshll.u32 v8, $0x10;
	v15 =	vand.u32 $0xFFFF0000, v8;
	v0 =	vadd.f32 v14, v0;
	(pc) =	sbr.rel @p2 .LBB2_9-.Ltmp3, $4  }
0xa5: {  	v8 =	vld [tilespmem:s14+$0x11E80];
	v6 =	vadd.f32 v12, v6;
	v12 =	vshll.u32 v9, $0x10;
	v14 =	vand.u32 $0xFFFF0000, v9  }
0xa6: {  	v9 =	vld [tilespmem:s14+$0x11E90];
	v5 =	vadd.f32 v12, v5;
	v16 =	vshll.u32 v7, $0x10;
	v12 =	vand.u32 $0xFFFF0000, v7  }
0xa7: {  	v3 =	vadd.f32 v13, v3;
	v7 =	vld [tilespmem:s14+$0x11EA0];
	v4 =	vadd.f32 v16, v4  }
0xa8: {  	v11 =	vadd.f32 v15, v11;
	v10 =	vadd.f32 v14, v10  }
0xa9: {  	_ = 	snop  }
0xaa: {  	v13 =	vshll.u32 v8, $0x10  }
0xab: {  	v8 =	vand.u32 $0xFFFF0000, v8;
	v6 =	vadd.f32 v13, v6  }
0xac: {  	v13 =	vshll.u32 v9, $0x10;
	v8 =	vadd.f32 v8, v11  }
0xad: {  	v9 =	vand.u32 $0xFFFF0000, v9;
	v5 =	vadd.f32 v13, v5;
	[tilespmem:s1+$0x3580] =	vst v6  }
0xae: {  	v2 =	vadd.f32 v12, v2;
	v9 =	vadd.f32 v9, v10;
	v6 =	vshll.u32 v7, $0x10;
	[tilespmem:s1+$0x35C0] =	vst v8  }
0xaf: {  	v7 =	vand.u32 $0xFFFF0000, v7;
	v4 =	vadd.f32 v6, v4;
	[tilespmem:s1+$0x3590] =	vst v5  }
0xb0: {  	v5 =	vshll.u32 v1, $0x10;
	v2 =	vadd.f32 v7, v2;
	[tilespmem:s1+$0x35D0] =	vst v9  }
0xb1: {  	v1 =	vand.u32 $0xFFFF0000, v1;
	v3 =	vadd.f32 v5, v3;
	[tilespmem:s1+$0x35A0] =	vst v4  }
0xb2: {  	v0 =	vadd.f32 v1, v0;
	[tilespmem:s1+$0x35E0] =	vst v2  }
0xb3: {  	[tilespmem:s1+$0x35B0] =	vst v3  }
0xb4: {  	s14 =	simm.s32 @!p0 $0x7;
	[tilespmem:s1+$0x35F0] =	vst v0  }
0xb5: {  	_ =	swait.ge @!p0 [sflag:s14], $0x68  }
0xb6: {  	s21 =	sadd.s32 @!p0 $0x1C08, s16;
	s28 =	simm.s32 @!p0 $0x11200;
	[sflag:s14] =	ssyncset.done @!p0 $0x0  }
0xb7: {  	s18 =	smul.u32 @p1 $0x1A0, s31;
	[sflag:s14] =	ssyncadd.s32 @!p0 $0xFFFFFF98;
	s14 =	simm.s32 @!p0 $0x68  }
0xb8: {  	[tilespmem:s28], [sflag:$0x3] =	stream.indirect.gather @!p0 [spmem:s2], $0x40, s21, s14, $0xb8;
	[tilespmem:$0x16000] =	vst v63  }
0xb9: {  	s14 =	sadd.s32 @p1 $0x3A8, s18;
	s21 =	sadd.s32 @p1 $0x1DA8, s18;
	s28 =	simm.s32 @p1 $0x68  }
0xba: {  	[tilespmem:s21], [sflag:$0x7] =	stream.indirect.gather @p1 [hbm4b:s4+s28], $0x1, s14, s28, $0xb8;
	[tilespmem:$0x16000] =	vst v63  }
0xbb: {  	_ =	swait.ge [sflag:s25], $0x1A00  }
0xbc: {  	[sflag:s25] =	ssyncset.done $0x0  }
0xbd: {  	s21 =	simm.s32 $0x0;
	[sflag:s25] =	ssyncadd.s32 $0xFFFFE600  }
0xbe: {  	v0 =	vld [tilespmem:s21+$0x12C30]  }
0xbf: {  	v3 =	vld [tilespmem:s21+$0x12C00]  }
0xc0: {  	v4 =	vld [tilespmem:s21+$0x12C10]  }
0xc1: {  	v7 =	vld [tilespmem:s21+$0x12C20];
	_ =	sdelay $0x1  }
0xc2: {  	v2 =	vimm.f32 $0.0e+00;
	s28 =	simm.s32 $0x40;
	v10 =	vshll.u32 v0, $0x10  }
0xc3: {  	v1 =	vld [tilespmem:s28+$0x12C30];
	v0 =	vand.u32 $0xFFFF0000, v0;
	v5 =	vshll.u32 v3, $0x10;
	v11 =	vand.u32 $0xFFFF0000, v3  }
0xc4: {  	v8 =	vld [tilespmem:s28+$0x12C00];
	v3 =	vshll.u32 v4, $0x10;
	v13 =	vand.u32 $0xFFFF0000, v4;
	v0 =	vadd.f32 v0, v2  }
0xc5: {  	v9 =	vld [tilespmem:s28+$0x12C10];
	v6 =	vadd.f32 v5, v2;
	v5 =	vadd.f32 v3, v2;
	v3 =	vshll.u32 v7, $0x10  }
0xc6: {  	v12 =	vand.u32 $0xFFFF0000, v7;
	v7 =	vld [tilespmem:s28+$0x12C20];
	v11 =	vadd.f32 v11, v2;
	v4 =	vadd.f32 v3, v2  }
0xc7: {  	s21 =	simm.s32 $0x200;
	v3 =	vadd.f32 v10, v2;
	v10 =	vadd.f32 v13, v2  }
.LBB2_11:
0xc8: {  	s14 =	sshra.s32 s21, $0x2;
	p2 =	sne.s32 s21, $0x3100;
	s21 =	sadd.s32 $0x100, s21;
	v13 =	vshll.u32 v1, $0x10;
	v14 =	vand.u32 $0xFFFF0000, v1;
	v2 =	vadd.f32 v12, v2  }
.Ltmp4:
0xc9: {  	v1 =	vld [tilespmem:s14+$0x12C30];
	v12 =	vshll.u32 v8, $0x10;
	v15 =	vand.u32 $0xFFFF0000, v8;
	v0 =	vadd.f32 v14, v0;
	(pc) =	sbr.rel @p2 .LBB2_11-.Ltmp4, $4  }
0xca: {  	v8 =	vld [tilespmem:s14+$0x12C00];
	v6 =	vadd.f32 v12, v6;
	v12 =	vshll.u32 v9, $0x10;
	v14 =	vand.u32 $0xFFFF0000, v9  }
0xcb: {  	v9 =	vld [tilespmem:s14+$0x12C10];
	v5 =	vadd.f32 v12, v5;
	v16 =	vshll.u32 v7, $0x10;
	v12 =	vand.u32 $0xFFFF0000, v7  }
0xcc: {  	v3 =	vadd.f32 v13, v3;
	v7 =	vld [tilespmem:s14+$0x12C20];
	v4 =	vadd.f32 v16, v4  }
0xcd: {  	v11 =	vadd.f32 v15, v11;
	v10 =	vadd.f32 v14, v10  }
0xce: {  	_ = 	snop  }
0xcf: {  	v13 =	vshll.u32 v8, $0x10  }
0xd0: {  	v8 =	vand.u32 $0xFFFF0000, v8;
	v6 =	vadd.f32 v13, v6  }
0xd1: {  	v13 =	vshll.u32 v9, $0x10;
	v8 =	vadd.f32 v8, v11  }
0xd2: {  	v9 =	vand.u32 $0xFFFF0000, v9;
	v5 =	vadd.f32 v13, v5;
	[tilespmem:s1+$0x3600] =	vst v6  }
0xd3: {  	v2 =	vadd.f32 v12, v2;
	v9 =	vadd.f32 v9, v10;
	v6 =	vshll.u32 v7, $0x10;
	[tilespmem:s1+$0x3640] =	vst v8  }
0xd4: {  	v7 =	vand.u32 $0xFFFF0000, v7;
	v4 =	vadd.f32 v6, v4;
	[tilespmem:s1+$0x3610] =	vst v5  }
0xd5: {  	v5 =	vshll.u32 v1, $0x10;
	v2 =	vadd.f32 v7, v2;
	[tilespmem:s1+$0x3650] =	vst v9  }
0xd6: {  	v1 =	vand.u32 $0xFFFF0000, v1;
	v3 =	vadd.f32 v5, v3;
	[tilespmem:s1+$0x3620] =	vst v4  }
0xd7: {  	v0 =	vadd.f32 v1, v0;
	[tilespmem:s1+$0x3660] =	vst v2  }
0xd8: {  	[tilespmem:s1+$0x3630] =	vst v3  }
0xd9: {  	s14 =	simm.s32 $0x0;
	[tilespmem:s1+$0x3670] =	vst v0  }
0xda: {  	v0 =	vld [tilespmem:s14+$0x138B0]  }
0xdb: {  	v3 =	vld [tilespmem:s14+$0x13880]  }
0xdc: {  	v4 =	vld [tilespmem:s14+$0x13890]  }
0xdd: {  	v7 =	vld [tilespmem:s14+$0x138A0];
	_ =	sdelay $0x1  }
0xde: {  	s28 =	simm.s32 $0x40;
	v2 =	vimm.f32 $0.0e+00;
	v10 =	vshll.u32 v0, $0x10  }
0xdf: {  	v1 =	vld [tilespmem:s28+$0x138B0];
	v0 =	vand.u32 $0xFFFF0000, v0;
	v5 =	vshll.u32 v3, $0x10;
	v11 =	vand.u32 $0xFFFF0000, v3  }
0xe0: {  	v8 =	vld [tilespmem:s28+$0x13880];
	v3 =	vshll.u32 v4, $0x10;
	v13 =	vand.u32 $0xFFFF0000, v4;
	v0 =	vadd.f32 v0, v2  }
0xe1: {  	v9 =	vld [tilespmem:s28+$0x13890];
	v6 =	vadd.f32 v5, v2;
	v5 =	vadd.f32 v3, v2;
	v3 =	vshll.u32 v7, $0x10  }
0xe2: {  	v12 =	vand.u32 $0xFFFF0000, v7;
	v7 =	vld [tilespmem:s28+$0x138A0];
	v11 =	vadd.f32 v11, v2;
	v4 =	vadd.f32 v3, v2  }
0xe3: {  	s21 =	simm.s32 $0x200;
	v3 =	vadd.f32 v10, v2;
	v10 =	vadd.f32 v13, v2  }
.LBB2_13:
0xe4: {  	s14 =	sshra.s32 s21, $0x2;
	p2 =	sne.s32 s21, $0x3100;
	s21 =	sadd.s32 $0x100, s21;
	v13 =	vshll.u32 v1, $0x10;
	v14 =	vand.u32 $0xFFFF0000, v1;
	v2 =	vadd.f32 v12, v2  }
.Ltmp5:
0xe5: {  	v1 =	vld [tilespmem:s14+$0x138B0];
	v12 =	vshll.u32 v8, $0x10;
	v15 =	vand.u32 $0xFFFF0000, v8;
	v0 =	vadd.f32 v14, v0;
	(pc) =	sbr.rel @p2 .LBB2_13-.Ltmp5, $4  }
0xe6: {  	v8 =	vld [tilespmem:s14+$0x13880];
	v6 =	vadd.f32 v12, v6;
	v12 =	vshll.u32 v9, $0x10;
	v14 =	vand.u32 $0xFFFF0000, v9  }
0xe7: {  	v9 =	vld [tilespmem:s14+$0x13890];
	v5 =	vadd.f32 v12, v5;
	v16 =	vshll.u32 v7, $0x10;
	v12 =	vand.u32 $0xFFFF0000, v7  }
0xe8: {  	v3 =	vadd.f32 v13, v3;
	v7 =	vld [tilespmem:s14+$0x138A0];
	v4 =	vadd.f32 v16, v4  }
0xe9: {  	v11 =	vadd.f32 v15, v11;
	v10 =	vadd.f32 v14, v10  }
0xea: {  	_ = 	snop  }
0xeb: {  	v13 =	vshll.u32 v8, $0x10  }
0xec: {  	v8 =	vand.u32 $0xFFFF0000, v8;
	v6 =	vadd.f32 v13, v6  }
0xed: {  	v13 =	vshll.u32 v9, $0x10;
	v8 =	vadd.f32 v8, v11  }
0xee: {  	v9 =	vand.u32 $0xFFFF0000, v9;
	v5 =	vadd.f32 v13, v5;
	[tilespmem:s1+$0x3680] =	vst v6  }
0xef: {  	v2 =	vadd.f32 v12, v2;
	v9 =	vadd.f32 v9, v10;
	v6 =	vshll.u32 v7, $0x10;
	[tilespmem:s1+$0x36C0] =	vst v8  }
0xf0: {  	v7 =	vand.u32 $0xFFFF0000, v7;
	v4 =	vadd.f32 v6, v4;
	[tilespmem:s1+$0x3690] =	vst v5  }
0xf1: {  	v5 =	vshll.u32 v1, $0x10;
	v2 =	vadd.f32 v7, v2;
	[tilespmem:s1+$0x36D0] =	vst v9  }
0xf2: {  	v1 =	vand.u32 $0xFFFF0000, v1;
	v3 =	vadd.f32 v5, v3;
	[tilespmem:s1+$0x36A0] =	vst v4  }
0xf3: {  	v0 =	vadd.f32 v1, v0;
	[tilespmem:s1+$0x36E0] =	vst v2  }
0xf4: {  	[tilespmem:s1+$0x36B0] =	vst v3  }
0xf5: {  	s14 =	simm.s32 @!p0 $0x8;
	[tilespmem:s1+$0x36F0] =	vst v0  }
0xf6: {  	_ =	swait.ge @!p0 [sflag:s14], $0x68  }
0xf7: {  	s21 =	sadd.s32 @!p0 $0x1C70, s16;
	[sflag:s14] =	ssyncset.done @!p0 $0x0  }
0xf8: {  	s28 =	simm.s32 @!p0 $0x12C00;
	[sflag:s14] =	ssyncadd.s32 @!p0 $0xFFFFFF98;
	s14 =	simm.s32 @!p0 $0x68  }
0xf9: {  	[tilespmem:s28], [sflag:$0x4] =	stream.indirect.gather @!p0 [spmem:s2], $0x40, s21, s14, $0xb8;
	[tilespmem:$0x16000] =	vst v63  }
0xfa: {  	s14 =	sadd.s32 @p1 $0x410, s18;
	s21 =	sadd.s32 @p1 $0x1E10, s18;
	s28 =	simm.s32 @p1 $0x68  }
0xfb: {  	[tilespmem:s21], [sflag:$0x8] =	stream.indirect.gather @p1 [hbm4b:s4+s28], $0x1, s14, s28, $0xb8;
	[tilespmem:$0x16000] =	vst v63  }
0xfc: {  	_ =	swait.ge [sflag:s26], $0x1A00  }
0xfd: {  	[sflag:s26] =	ssyncset.done $0x0  }
0xfe: {  	s21 =	simm.s32 $0x0;
	[sflag:s26] =	ssyncadd.s32 $0xFFFFE600  }
0xff: {  	v0 =	vld [tilespmem:s21+$0x14630]  }
0x100: {  	v3 =	vld [tilespmem:s21+$0x14600]  }
0x101: {  	v4 =	vld [tilespmem:s21+$0x14610]  }
0x102: {  	v7 =	vld [tilespmem:s21+$0x14620];
	_ =	sdelay $0x1  }
0x103: {  	v2 =	vimm.f32 $0.0e+00;
	s28 =	simm.s32 $0x40;
	v10 =	vshll.u32 v0, $0x10  }
0x104: {  	v1 =	vld [tilespmem:s28+$0x14630];
	v0 =	vand.u32 $0xFFFF0000, v0;
	v5 =	vshll.u32 v3, $0x10;
	v11 =	vand.u32 $0xFFFF0000, v3  }
0x105: {  	v8 =	vld [tilespmem:s28+$0x14600];
	v3 =	vshll.u32 v4, $0x10;
	v13 =	vand.u32 $0xFFFF0000, v4;
	v0 =	vadd.f32 v0, v2  }
0x106: {  	v9 =	vld [tilespmem:s28+$0x14610];
	v6 =	vadd.f32 v5, v2;
	v5 =	vadd.f32 v3, v2;
	v3 =	vshll.u32 v7, $0x10  }
0x107: {  	v12 =	vand.u32 $0xFFFF0000, v7;
	v7 =	vld [tilespmem:s28+$0x14620];
	v11 =	vadd.f32 v11, v2;
	v4 =	vadd.f32 v3, v2  }
0x108: {  	s21 =	simm.s32 $0x200;
	v3 =	vadd.f32 v10, v2;
	v10 =	vadd.f32 v13, v2  }
.LBB2_15:
0x109: {  	s14 =	sshra.s32 s21, $0x2;
	p2 =	sne.s32 s21, $0x3100;
	s21 =	sadd.s32 $0x100, s21;
	v13 =	vshll.u32 v1, $0x10;
	v14 =	vand.u32 $0xFFFF0000, v1;
	v2 =	vadd.f32 v12, v2  }
.Ltmp6:
0x10a: {  	v1 =	vld [tilespmem:s14+$0x14630];
	v12 =	vshll.u32 v8, $0x10;
	v15 =	vand.u32 $0xFFFF0000, v8;
	v0 =	vadd.f32 v14, v0;
	(pc) =	sbr.rel @p2 .LBB2_15-.Ltmp6, $4  }
0x10b: {  	v8 =	vld [tilespmem:s14+$0x14600];
	v6 =	vadd.f32 v12, v6;
	v12 =	vshll.u32 v9, $0x10;
	v14 =	vand.u32 $0xFFFF0000, v9  }
0x10c: {  	v9 =	vld [tilespmem:s14+$0x14610];
	v5 =	vadd.f32 v12, v5;
	v16 =	vshll.u32 v7, $0x10;
	v12 =	vand.u32 $0xFFFF0000, v7  }
0x10d: {  	v3 =	vadd.f32 v13, v3;
	v7 =	vld [tilespmem:s14+$0x14620];
	v4 =	vadd.f32 v16, v4  }
0x10e: {  	v11 =	vadd.f32 v15, v11;
	v10 =	vadd.f32 v14, v10  }
0x10f: {  	_ = 	snop  }
0x110: {  	v13 =	vshll.u32 v8, $0x10  }
0x111: {  	v8 =	vand.u32 $0xFFFF0000, v8;
	v6 =	vadd.f32 v13, v6  }
0x112: {  	v13 =	vshll.u32 v9, $0x10;
	v8 =	vadd.f32 v8, v11  }
0x113: {  	v9 =	vand.u32 $0xFFFF0000, v9;
	v5 =	vadd.f32 v13, v5;
	[tilespmem:s1+$0x3700] =	vst v6  }
0x114: {  	v2 =	vadd.f32 v12, v2;
	v9 =	vadd.f32 v9, v10;
	v6 =	vshll.u32 v7, $0x10;
	[tilespmem:s1+$0x3740] =	vst v8  }
0x115: {  	v7 =	vand.u32 $0xFFFF0000, v7;
	v4 =	vadd.f32 v6, v4;
	[tilespmem:s1+$0x3710] =	vst v5  }
0x116: {  	v5 =	vshll.u32 v1, $0x10;
	v2 =	vadd.f32 v7, v2;
	[tilespmem:s1+$0x3750] =	vst v9  }
0x117: {  	v1 =	vand.u32 $0xFFFF0000, v1;
	v3 =	vadd.f32 v5, v3;
	[tilespmem:s1+$0x3720] =	vst v4  }
0x118: {  	v0 =	vadd.f32 v1, v0;
	[tilespmem:s1+$0x3760] =	vst v2  }
0x119: {  	[tilespmem:s1+$0x3730] =	vst v3  }
0x11a: {  	s14 =	simm.s32 $0x0;
	[tilespmem:s1+$0x3770] =	vst v0  }
0x11b: {  	v0 =	vld [tilespmem:s14+$0x152B0]  }
0x11c: {  	v3 =	vld [tilespmem:s14+$0x15280]  }
0x11d: {  	v4 =	vld [tilespmem:s14+$0x15290]  }
0x11e: {  	v7 =	vld [tilespmem:s14+$0x152A0];
	_ =	sdelay $0x1  }
0x11f: {  	s28 =	simm.s32 $0x40;
	v2 =	vimm.f32 $0.0e+00;
	v10 =	vshll.u32 v0, $0x10  }
0x120: {  	v1 =	vld [tilespmem:s28+$0x152B0];
	v0 =	vand.u32 $0xFFFF0000, v0;
	v5 =	vshll.u32 v3, $0x10;
	v11 =	vand.u32 $0xFFFF0000, v3  }
0x121: {  	v8 =	vld [tilespmem:s28+$0x15280];
	v3 =	vshll.u32 v4, $0x10;
	v13 =	vand.u32 $0xFFFF0000, v4;
	v0 =	vadd.f32 v0, v2  }
0x122: {  	v9 =	vld [tilespmem:s28+$0x15290];
	v6 =	vadd.f32 v5, v2;
	v5 =	vadd.f32 v3, v2;
	v3 =	vshll.u32 v7, $0x10  }
0x123: {  	v12 =	vand.u32 $0xFFFF0000, v7;
	v7 =	vld [tilespmem:s28+$0x152A0];
	v11 =	vadd.f32 v11, v2;
	v4 =	vadd.f32 v3, v2  }
0x124: {  	s21 =	simm.s32 $0x200;
	v3 =	vadd.f32 v10, v2;
	v10 =	vadd.f32 v13, v2  }
.LBB2_17:
0x125: {  	s14 =	sshra.s32 s21, $0x2;
	p2 =	sne.s32 s21, $0x3100;
	s21 =	sadd.s32 $0x100, s21;
	v13 =	vshll.u32 v1, $0x10;
	v14 =	vand.u32 $0xFFFF0000, v1;
	v2 =	vadd.f32 v12, v2  }
.Ltmp7:
0x126: {  	v1 =	vld [tilespmem:s14+$0x152B0];
	v12 =	vshll.u32 v8, $0x10;
	v15 =	vand.u32 $0xFFFF0000, v8;
	v0 =	vadd.f32 v14, v0;
	(pc) =	sbr.rel @p2 .LBB2_17-.Ltmp7, $4  }
0x127: {  	v8 =	vld [tilespmem:s14+$0x15280];
	v6 =	vadd.f32 v12, v6;
	v12 =	vshll.u32 v9, $0x10;
	v14 =	vand.u32 $0xFFFF0000, v9  }
0x128: {  	v9 =	vld [tilespmem:s14+$0x15290];
	v5 =	vadd.f32 v12, v5;
	v16 =	vshll.u32 v7, $0x10;
	v12 =	vand.u32 $0xFFFF0000, v7  }
0x129: {  	v3 =	vadd.f32 v13, v3;
	v7 =	vld [tilespmem:s14+$0x152A0];
	v4 =	vadd.f32 v16, v4  }
0x12a: {  	v11 =	vadd.f32 v15, v11;
	v10 =	vadd.f32 v14, v10  }
0x12b: {  	v62 =	vshll.u32 v1, $0x10  }
0x12c: {  	v63 =	vand.u32 $0xFFFF0000, v1;
	v3 =	vadd.f32 v62, v3  }
0x12d: {  	v13 =	vshll.u32 v8, $0x10;
	v0 =	vadd.f32 v63, v0  }
0x12e: {  	v57 =	vand.u32 $0xFFFF0000, v8;
	v6 =	vadd.f32 v13, v6;
	[tilespmem:s1+$0x37B0] =	vst v3  }
0x12f: {  	v58 =	vshll.u32 v9, $0x10;
	v8 =	vadd.f32 v57, v11;
	[tilespmem:s1+$0x37F0] =	vst v0  }
0x130: {  	v59 =	vand.u32 $0xFFFF0000, v9;
	v5 =	vadd.f32 v58, v5;
	[tilespmem:s1+$0x3780] =	vst v6  }
0x131: {  	v2 =	vadd.f32 v12, v2;
	v60 =	vshll.u32 v7, $0x10;
	v9 =	vadd.f32 v59, v10;
	[tilespmem:s1+$0x37C0] =	vst v8  }
0x132: {  	v61 =	vand.u32 $0xFFFF0000, v7;
	v4 =	vadd.f32 v60, v4;
	[tilespmem:s1+$0x3790] =	vst v5  }
0x133: {  	v2 =	vadd.f32 v61, v2;
	[tilespmem:s1+$0x37D0] =	vst v9  }
0x134: {  	[tilespmem:s1+$0x37A0] =	vst v4  }
0x135: {  	[tilespmem:s1+$0x37E0] =	vst v2;
	s1 =	simm.s32 @!p0 $0x9  }
0x136: {  	_ =	swait.ge @!p0 [sflag:s1], $0x68  }
0x137: {  	s14 =	sadd.s32 @!p0 $0x1CD8, s16;
	s16 =	simm.s32 @!p0 $0x14600;
	[sflag:s1] =	ssyncset.done @!p0 $0x0  }
0x138: {  	s31 =	sadd.s32 $0x1, s31;
	[sflag:s1] =	ssyncadd.s32 @!p0 $0xFFFFFF98;
	s1 =	simm.s32 @!p0 $0x68  }
0x139: {  	[tilespmem:s16], [sflag:$0x5] =	stream.indirect.gather @!p0 [spmem:s2], $0x40, s14, s1, $0xb8;
	[tilespmem:$0x16000] =	vst v63  }
0x13a: {  	p0 =	sne.s32 s31, $0x10  }
.Ltmp8:
0x13b: {  	_ = 	snop;
	(pc) =	sbr.rel @p0 .LBB2_2-.Ltmp8, $3  }
0x13c: {  	_ =	sdelay $0x1  }
0x13d: {  	s1 =	sadd.s32 @p1 $0x478, s18;
	s14 =	sadd.s32 @p1 $0x1E78, s18;
	s16 =	simm.s32 @p1 $0x68  }
0x13e: {  	[tilespmem:s14], [sflag:$0x9] =	stream.indirect.gather @p1 [hbm4b:s4+s16], $0x1, s1, s16, $0xb8;
	[tilespmem:$0x16000] =	vst v63  }
0x13f: {  	s30 =	sadd.s32 $0x1, s30  }
0x140: {  	p0 =	sne.s32 s30, s9  }
.Ltmp9:
0x141: {  	s1 =	simm.s32 $0x3400;
	(pc) =	sbr.rel @p0 .LBB2_1-.Ltmp9, $4  }
0x142: {  	[hbm4b:s8+s3] =	stream.linear.scatter [tilespmem:s1], [sflag:$0xA], $0x4000, $0x38;
	[tilespmem:$0x16000] =	vst v63  }
0x143: {  	_ =	swait.ge [sflag:s11], $0x4000  }
0x144: {  	[sflag:s11] =	ssyncset.done $0x0  }
0x145: {  	[sflag:s11] =	ssyncadd.s32 $0xFFFFC000  }
0x146: {  	_ =	sfence.sel $0x180000  }
0x147: {  	[bflag:$0x0] =	sbarrier.arrive $0xFFFF  }
0x148: {  	_ =	strace $0x90000047  }
0x149: {  	s0 =	stileid.u32;
	[bflag:$0x2] =	sbarrier.arrive $0xFFFF  }
0x14a: {  	p0 =	sne.s32 s0, $0x0;
	s0 =	rddreg [dreg:$0x3]  }
0x14b: {  	s0 =	sadd.s32 @!p0 $0x100000, s0  }
0x14c: {  	[sflag:s0] =	ssyncadd.tile.s32 @!p0 $0x1;
	_ =	shalt  }
.Lfunc_end2:
_tile_overlayer_lowered:
.L_overlay_start_2:
0x14d: {  	(tag) =	ssettag $0x2  }
0x14e: {  	s0 =	rddreg [dreg:$0x0];
	s2 =	stileid.u32  }
0x14f: {  	s1 =	rddreg [dreg:$0x1];
	p0 =	sne.s32 s2, $0x0  }
0x150: {  	s3 =	rddreg [dreg:$0x2];
	[bflag:$0x3] =	sbarrier.arrive $0xFFFF;
	s2 =	simm.s32 @!p0 $0x1C0A  }
0x151: {  	[timem:s3], [sflag:s2] =	dma.local @!p0 [hbm:s0], s1  }
0x152: {  	s0 =	simm.s32 @!p0 $0xA  }
0x153: {  	_ =	swait.ge @!p0 [sflag:s0], s1  }
0x154: {  	s1 =	ssub.s32 @!p0 $0x0, s1;
	[sflag:s0] =	ssyncset.done @!p0 $0x0  }
0x155: {  	[sflag:s0] =	ssyncadd.s32 @!p0 s1  }
0x156: {  	[bflag:$0x3] =	sbarrier.arrive $0xFFFF  }
0x157: {  	_ =	shalt  }

</sc_bundles>
